<compile_context>
chip_gen: v7x
topology: tpu7x:2x2x1
jax: 0.10.2.dev20260603
libtpu: 0.0.44.dev20260713+nightly
codegen_flags: <defaults>
</compile_context>

<pallas_src>
import functools

import jax
import jax.numpy as jnp
from jax import lax
from jax.experimental import pallas as pl
from jax.experimental.pallas import tpu as pltpu
from jax.experimental.pallas import tpu_sc as plsc

NC = 2
NS = 16
NW = NC * NS
D = 64
DP = 128
K = 128
G = 4
O = 2
NBUF = G + O


def _gather(idx3, tablep):
    n_chunks = idx3.shape[1]
    b_per_w = n_chunks * K
    n = NW * b_per_w
    mesh = plsc.VectorSubcoreMesh(core_axis_name="c", subcore_axis_name="s")

    @functools.partial(
        pl.kernel,
        out_type=jax.ShapeDtypeStruct((n, DP), jnp.float32),
        mesh=mesh,
        scratch_types=[
            pltpu.VMEM((n_chunks, K), jnp.int32),
            pltpu.VMEM((NBUF, K, DP), jnp.float32),
            pltpu.SemaphoreType.DMA,
            pltpu.SemaphoreType.DMA,
            pltpu.SemaphoreType.DMA,
        ],
    )
    def k(idx_hbm, table_hbm, out_hbm, idx_v, rows_v, sem_i, sem_g, sem_o):
        wid = lax.axis_index("s") * NC + lax.axis_index("c")
        base = wid * b_per_w
        pltpu.async_copy(idx_hbm.at[wid], idx_v, sem_i).wait()

        def start_gather(m, buf):
            pltpu.async_copy(table_hbm.at[idx_v.at[m]], rows_v.at[buf], sem_g)

        def start_out(j, buf):
            pltpu.async_copy(
                rows_v.at[buf], out_hbm.at[pl.ds(base + j * K, K)], sem_o
            )

        def wait_gather():
            pltpu.make_async_copy(
                table_hbm.at[idx_v.at[0]], rows_v.at[0], sem_g
            ).wait()

        def wait_out():
            pltpu.make_async_copy(
                rows_v.at[0], out_hbm.at[pl.ds(base, K)], sem_o
            ).wait()

        for b in range(G):
            start_gather(b, b)
        for j in range(O):
            start_gather(j + G, (j + G) % NBUF)
            wait_gather()
            start_out(j, j % NBUF)

        n_main = n_chunks - NBUF
        n_groups, n_rem = divmod(n_main, NBUF)

        def step(j, b):
            wait_out()
            start_gather(j + G, (O + b + G) % NBUF)
            wait_gather()
            start_out(j, (O + b) % NBUF)

        def group(g, carry):
            for b in range(NBUF):
                step(O + g * NBUF + b, b)
            return carry

        lax.fori_loop(0, n_groups, group, 0)
        for r in range(n_rem):
            step(O + n_groups * NBUF + r, r)

        for j in range(n_chunks - G, n_chunks):
            wait_out()
            wait_gather()
            start_out(j, j % NBUF)
        for _ in range(O):
            wait_out()

    return k(idx3, tablep)


def kernel(token_seq, table):
    b, s = token_seq.shape
    n = b * s
    idx3 = token_seq.reshape(NW, n // (NW * K), K)
    tablep = jnp.pad(table, ((0, 0), (0, DP - D)))
    outp = _gather(idx3, tablep)
    return outp[:, :D].reshape(b, s, D)

# --- scband reference (transcript-rebuilt; emitter-appended) ---
"""Pipeline reference for scband-bigram-model-74560632258701 (READ-ONLY COPY).

The authoritative reference and input builder live on the scoring server;
editing this copy changes nothing except your own understanding.
"""

import jax, jax.numpy as jnp
import numpy as np

NUM_EMBEDDINGS = 1000000
EMB_DIM = 64
BATCH = 4096
SEQ = 200

def setup_inputs(seed: int = 0) -> dict:
    key = jax.random.key(seed)
    k_idx, k_tab = jax.random.split(key)
    token_seq = jax.random.randint(k_idx, (BATCH, SEQ), 0, NUM_EMBEDDINGS, dtype=jnp.int64) if jax.config.jax_enable_x64 else jax.random.randint(k_idx, (BATCH, SEQ), 0, NUM_EMBEDDINGS, dtype=jnp.int32)
    table = jax.random.normal(k_tab, (NUM_EMBEDDINGS, EMB_DIM), dtype=jnp.float32)
    return {"token_seq": token_seq, "table": table}

def reference(token_seq, table):
    # BigramModel.forward: logits = self.token_embedding_table(token_seq)
    logits = jnp.take(table, token_seq, axis=0)
    return logits

if __name__ == "__main__":
    import jax
    _d = setup_inputs()
    print(jax.jit(kernel)(*tuple(_d.values())))

</pallas_src>

<mosaic_0001>
#map = affine_map<(d0, d1) -> (0, 0, 0)>
#map1 = affine_map<(d0, d1) -> (0, 0)>
module attributes {stable_mosaic.version = 14 : i64} {
  func.func @k(%arg0: i32, %arg1: i32, %arg2: memref<32x200x128xi32, #tpu.memory_space<hbm>>, %arg3: memref<1000000x128xf32, #tpu.memory_space<hbm>>, %arg4: memref<819200x128xf32, #tpu.memory_space<hbm>>, %arg5: memref<200x128xi32, #tpu.memory_space<vmem>>, %arg6: memref<6x128x128xf32, #tpu.memory_space<vmem>>, %arg7: memref<!tpu.dma_semaphore, #tpu.memory_space<semaphore_mem>>, %arg8: memref<!tpu.dma_semaphore, #tpu.memory_space<semaphore_mem>>, %arg9: memref<!tpu.dma_semaphore, #tpu.memory_space<semaphore_mem>>) attributes {dimension_semantics = [#tpu.dimension_semantics<core_parallel>, #tpu.dimension_semantics<subcore_parallel>], iteration_bounds = array<i64: 2, 16>, scalar_prefetch = 0 : i64, scratch_operands = 5 : i64, tpu.core_type = #tpu.core_type<sc_vector_subcore>, window_params = [{transform_indices = #map}, {transform_indices = #map1}, {transform_indices = #map1}]} {
    %mul3A = arith.constant 2 : i32
    %mul3A_0 = arith.muli %arg1, %mul3A : i32
    %add3A = arith.addi %mul3A_0, %arg0 : i32
    %mul3A_1 = arith.constant 25600 : i32
    %mul3A_2 = arith.muli %add3A, %mul3A_1 : i32
    %dma_start3A = arith.constant 0 : i32
    %dma_start3A_3 = arith.constant 0 : i32
    %dma_start3A_4 = tpu.memref_slice %arg2[%add3A, %dma_start3A, %dma_start3A_3] : memref<32x200x128xi32, #tpu.memory_space<hbm>> -> memref<1x200x128xi32, #tpu.memory_space<hbm>>
    %dma_start3A_5 = tpu.memref_squeeze %dma_start3A_4 : memref<1x200x128xi32, #tpu.memory_space<hbm>> -> memref<200x128xi32, #tpu.memory_space<hbm>>
    %dma_start3A_6 = arith.constant 0 : i32
    %dma_start3A_7 = arith.constant 0 : i32
    %dma_start3A_8 = tpu.memref_slice %arg2[%add3A, %dma_start3A_6, %dma_start3A_7] : memref<32x200x128xi32, #tpu.memory_space<hbm>> -> memref<1x200x128xi32, #tpu.memory_space<hbm>>
    %dma_start3A_9 = tpu.memref_squeeze %dma_start3A_8 : memref<1x200x128xi32, #tpu.memory_space<hbm>> -> memref<200x128xi32, #tpu.memory_space<hbm>>
    tpu.enqueue_dma source(%dma_start3A_9 : memref<200x128xi32, #tpu.memory_space<hbm>>) target(%arg5 : memref<200x128xi32, #tpu.memory_space<vmem>>) target_semaphore(%arg7 : memref<!tpu.dma_semaphore, #tpu.memory_space<semaphore_mem>>)
    %dma_wait3A = arith.constant 0 : i32
    %dma_wait3A_10 = arith.constant 0 : i32
    %dma_wait3A_11 = tpu.memref_slice %arg2[%add3A, %dma_wait3A, %dma_wait3A_10] : memref<32x200x128xi32, #tpu.memory_space<hbm>> -> memref<1x200x128xi32, #tpu.memory_space<hbm>>
    %dma_wait3A_12 = tpu.memref_squeeze %dma_wait3A_11 : memref<1x200x128xi32, #tpu.memory_space<hbm>> -> memref<200x128xi32, #tpu.memory_space<hbm>>
    %dma_wait3A_13 = arith.constant 0 : i32
    %dma_wait3A_14 = arith.constant 0 : i32
    %dma_wait3A_15 = tpu.memref_slice %arg2[%add3A, %dma_wait3A_13, %dma_wait3A_14] : memref<32x200x128xi32, #tpu.memory_space<hbm>> -> memref<1x200x128xi32, #tpu.memory_space<hbm>>
    %dma_wait3A_16 = tpu.memref_squeeze %dma_wait3A_15 : memref<1x200x128xi32, #tpu.memory_space<hbm>> -> memref<200x128xi32, #tpu.memory_space<hbm>>
    tpu.wait_dma2 semaphore(%arg7 : memref<!tpu.dma_semaphore, #tpu.memory_space<semaphore_mem>>) src(%dma_wait3A_16 : memref<200x128xi32, #tpu.memory_space<hbm>>) dst(%arg5 : memref<200x128xi32, #tpu.memory_space<vmem>>)
    %dma_start3A_17 = arith.constant 0 : i32
    %dma_start3A_18 = arith.constant 0 : i32
    %dma_start3A_19 = arith.constant 0 : i32
    %dma_start3A_20 = arith.constant 0 : i32
    %dma_start3A_21 = tpu.memref_slice %arg6[%dma_start3A_18, %dma_start3A_19, %dma_start3A_20] : memref<6x128x128xf32, #tpu.memory_space<vmem>> -> memref<1x128x128xf32, #tpu.memory_space<vmem>>
    %dma_start3A_22 = tpu.memref_squeeze %dma_start3A_21 : memref<1x128x128xf32, #tpu.memory_space<vmem>> -> memref<128x128xf32, #tpu.memory_space<vmem>>
    %dma_start3A_23 = arith.constant 0 : i32
    %dma_start3A_24 = tpu.memref_slice %arg5[%dma_start3A_17, %dma_start3A_23] : memref<200x128xi32, #tpu.memory_space<vmem>> -> memref<1x128xi32, #tpu.memory_space<vmem>>
    %dma_start3A_25 = tpu.memref_squeeze %dma_start3A_24 : memref<1x128xi32, #tpu.memory_space<vmem>> -> memref<128xi32, #tpu.memory_space<vmem>>
    %dma_start3A_26 = arith.constant 0 : i32
    %dma_start3A_27 = arith.constant 0 : i32
    %dma_start3A_28 = tpu.memref_slice %arg3[%dma_start3A_26, %dma_start3A_27] : memref<1000000x128xf32, #tpu.memory_space<hbm>> -> memref<1000000x128xf32, #tpu.memory_space<hbm>>
    tpu.enqueue_indirect_dma source(%dma_start3A_28 : memref<1000000x128xf32, #tpu.memory_space<hbm>>) target(%dma_start3A_22 : memref<128x128xf32, #tpu.memory_space<vmem>>) offsets(%dma_start3A_25 : memref<128xi32, #tpu.memory_space<vmem>>) semaphore(%arg8 : memref<!tpu.dma_semaphore, #tpu.memory_space<semaphore_mem>>)
    %dma_start3A_29 = arith.constant 1 : i32
    %dma_start3A_30 = arith.constant 1 : i32
    %dma_start3A_31 = arith.constant 0 : i32
    %dma_start3A_32 = arith.constant 0 : i32
    %dma_start3A_33 = tpu.memref_slice %arg6[%dma_start3A_30, %dma_start3A_31, %dma_start3A_32] : memref<6x128x128xf32, #tpu.memory_space<vmem>> -> memref<1x128x128xf32, #tpu.memory_space<vmem>>
    %dma_start3A_34 = tpu.memref_squeeze %dma_start3A_33 : memref<1x128x128xf32, #tpu.memory_space<vmem>> -> memref<128x128xf32, #tpu.memory_space<vmem>>
    %dma_start3A_35 = arith.constant 0 : i32
    %dma_start3A_36 = tpu.memref_slice %arg5[%dma_start3A_29, %dma_start3A_35] : memref<200x128xi32, #tpu.memory_space<vmem>> -> memref<1x128xi32, #tpu.memory_space<vmem>>
    %dma_start3A_37 = tpu.memref_squeeze %dma_start3A_36 : memref<1x128xi32, #tpu.memory_space<vmem>> -> memref<128xi32, #tpu.memory_space<vmem>>
    %dma_start3A_38 = arith.constant 0 : i32
    %dma_start3A_39 = arith.constant 0 : i32
    %dma_start3A_40 = tpu.memref_slice %arg3[%dma_start3A_38, %dma_start3A_39] : memref<1000000x128xf32, #tpu.memory_space<hbm>> -> memref<1000000x128xf32, #tpu.memory_space<hbm>>
    tpu.enqueue_indirect_dma source(%dma_start3A_40 : memref<1000000x128xf32, #tpu.memory_space<hbm>>) target(%dma_start3A_34 : memref<128x128xf32, #tpu.memory_space<vmem>>) offsets(%dma_start3A_37 : memref<128xi32, #tpu.memory_space<vmem>>) semaphore(%arg8 : memref<!tpu.dma_semaphore, #tpu.memory_space<semaphore_mem>>)
    %dma_start3A_41 = arith.constant 2 : i32
    %dma_start3A_42 = arith.constant 2 : i32
    %dma_start3A_43 = arith.constant 0 : i32
    %dma_start3A_44 = arith.constant 0 : i32
    %dma_start3A_45 = tpu.memref_slice %arg6[%dma_start3A_42, %dma_start3A_43, %dma_start3A_44] : memref<6x128x128xf32, #tpu.memory_space<vmem>> -> memref<1x128x128xf32, #tpu.memory_space<vmem>>
    %dma_start3A_46 = tpu.memref_squeeze %dma_start3A_45 : memref<1x128x128xf32, #tpu.memory_space<vmem>> -> memref<128x128xf32, #tpu.memory_space<vmem>>
    %dma_start3A_47 = arith.constant 0 : i32
    %dma_start3A_48 = tpu.memref_slice %arg5[%dma_start3A_41, %dma_start3A_47] : memref<200x128xi32, #tpu.memory_space<vmem>> -> memref<1x128xi32, #tpu.memory_space<vmem>>
    %dma_start3A_49 = tpu.memref_squeeze %dma_start3A_48 : memref<1x128xi32, #tpu.memory_space<vmem>> -> memref<128xi32, #tpu.memory_space<vmem>>
    %dma_start3A_50 = arith.constant 0 : i32
    %dma_start3A_51 = arith.constant 0 : i32
    %dma_start3A_52 = tpu.memref_slice %arg3[%dma_start3A_50, %dma_start3A_51] : memref<1000000x128xf32, #tpu.memory_space<hbm>> -> memref<1000000x128xf32, #tpu.memory_space<hbm>>
    tpu.enqueue_indirect_dma source(%dma_start3A_52 : memref<1000000x128xf32, #tpu.memory_space<hbm>>) target(%dma_start3A_46 : memref<128x128xf32, #tpu.memory_space<vmem>>) offsets(%dma_start3A_49 : memref<128xi32, #tpu.memory_space<vmem>>) semaphore(%arg8 : memref<!tpu.dma_semaphore, #tpu.memory_space<semaphore_mem>>)
    %dma_start3A_53 = arith.constant 3 : i32
    %dma_start3A_54 = arith.constant 3 : i32
    %dma_start3A_55 = arith.constant 0 : i32
    %dma_start3A_56 = arith.constant 0 : i32
    %dma_start3A_57 = tpu.memref_slice %arg6[%dma_start3A_54, %dma_start3A_55, %dma_start3A_56] : memref<6x128x128xf32, #tpu.memory_space<vmem>> -> memref<1x128x128xf32, #tpu.memory_space<vmem>>
    %dma_start3A_58 = tpu.memref_squeeze %dma_start3A_57 : memref<1x128x128xf32, #tpu.memory_space<vmem>> -> memref<128x128xf32, #tpu.memory_space<vmem>>
    %dma_start3A_59 = arith.constant 0 : i32
    %dma_start3A_60 = tpu.memref_slice %arg5[%dma_start3A_53, %dma_start3A_59] : memref<200x128xi32, #tpu.memory_space<vmem>> -> memref<1x128xi32, #tpu.memory_space<vmem>>
    %dma_start3A_61 = tpu.memref_squeeze %dma_start3A_60 : memref<1x128xi32, #tpu.memory_space<vmem>> -> memref<128xi32, #tpu.memory_space<vmem>>
    %dma_start3A_62 = arith.constant 0 : i32
    %dma_start3A_63 = arith.constant 0 : i32
    %dma_start3A_64 = tpu.memref_slice %arg3[%dma_start3A_62, %dma_start3A_63] : memref<1000000x128xf32, #tpu.memory_space<hbm>> -> memref<1000000x128xf32, #tpu.memory_space<hbm>>
    tpu.enqueue_indirect_dma source(%dma_start3A_64 : memref<1000000x128xf32, #tpu.memory_space<hbm>>) target(%dma_start3A_58 : memref<128x128xf32, #tpu.memory_space<vmem>>) offsets(%dma_start3A_61 : memref<128xi32, #tpu.memory_space<vmem>>) semaphore(%arg8 : memref<!tpu.dma_semaphore, #tpu.memory_space<semaphore_mem>>)
    %dma_start3A_65 = arith.constant 4 : i32
    %dma_start3A_66 = arith.constant 4 : i32
    %dma_start3A_67 = arith.constant 0 : i32
    %dma_start3A_68 = arith.constant 0 : i32
    %dma_start3A_69 = tpu.memref_slice %arg6[%dma_start3A_66, %dma_start3A_67, %dma_start3A_68] : memref<6x128x128xf32, #tpu.memory_space<vmem>> -> memref<1x128x128xf32, #tpu.memory_space<vmem>>
    %dma_start3A_70 = tpu.memref_squeeze %dma_start3A_69 : memref<1x128x128xf32, #tpu.memory_space<vmem>> -> memref<128x128xf32, #tpu.memory_space<vmem>>
    %dma_start3A_71 = arith.constant 0 : i32
    %dma_start3A_72 = tpu.memref_slice %arg5[%dma_start3A_65, %dma_start3A_71] : memref<200x128xi32, #tpu.memory_space<vmem>> -> memref<1x128xi32, #tpu.memory_space<vmem>>
    %dma_start3A_73 = tpu.memref_squeeze %dma_start3A_72 : memref<1x128xi32, #tpu.memory_space<vmem>> -> memref<128xi32, #tpu.memory_space<vmem>>
    %dma_start3A_74 = arith.constant 0 : i32
    %dma_start3A_75 = arith.constant 0 : i32
    %dma_start3A_76 = tpu.memref_slice %arg3[%dma_start3A_74, %dma_start3A_75] : memref<1000000x128xf32, #tpu.memory_space<hbm>> -> memref<1000000x128xf32, #tpu.memory_space<hbm>>
    tpu.enqueue_indirect_dma source(%dma_start3A_76 : memref<1000000x128xf32, #tpu.memory_space<hbm>>) target(%dma_start3A_70 : memref<128x128xf32, #tpu.memory_space<vmem>>) offsets(%dma_start3A_73 : memref<128xi32, #tpu.memory_space<vmem>>) semaphore(%arg8 : memref<!tpu.dma_semaphore, #tpu.memory_space<semaphore_mem>>)
    %dma_wait3A_77 = arith.constant 0 : i32
    %dma_wait3A_78 = arith.constant 0 : i32
    %dma_wait3A_79 = arith.constant 0 : i32
    %dma_wait3A_80 = arith.constant 0 : i32
    %dma_wait3A_81 = tpu.memref_slice %arg6[%dma_wait3A_78, %dma_wait3A_79, %dma_wait3A_80] : memref<6x128x128xf32, #tpu.memory_space<vmem>> -> memref<1x128x128xf32, #tpu.memory_space<vmem>>
    %dma_wait3A_82 = tpu.memref_squeeze %dma_wait3A_81 : memref<1x128x128xf32, #tpu.memory_space<vmem>> -> memref<128x128xf32, #tpu.memory_space<vmem>>
    %dma_wait3A_83 = arith.constant 0 : i32
    %dma_wait3A_84 = tpu.memref_slice %arg5[%dma_wait3A_77, %dma_wait3A_83] : memref<200x128xi32, #tpu.memory_space<vmem>> -> memref<1x128xi32, #tpu.memory_space<vmem>>
    %dma_wait3A_85 = tpu.memref_squeeze %dma_wait3A_84 : memref<1x128xi32, #tpu.memory_space<vmem>> -> memref<128xi32, #tpu.memory_space<vmem>>
    %dma_wait3A_86 = arith.constant 0 : i32
    %dma_wait3A_87 = arith.constant 0 : i32
    %dma_wait3A_88 = tpu.memref_slice %arg3[%dma_wait3A_86, %dma_wait3A_87] : memref<1000000x128xf32, #tpu.memory_space<hbm>> -> memref<1000000x128xf32, #tpu.memory_space<hbm>>
    tpu.wait_indirect_dma semaphore(%arg8 : memref<!tpu.dma_semaphore, #tpu.memory_space<semaphore_mem>>) src(%dma_wait3A_88 : memref<1000000x128xf32, #tpu.memory_space<hbm>>) dst(%dma_wait3A_82 : memref<128x128xf32, #tpu.memory_space<vmem>>)
    %add3A_89 = arith.constant 0 : i32
    %add3A_90 = arith.addi %mul3A_2, %add3A_89 : i32
    %dma_start3A_91 = arith.constant 0 : i32
    %dma_start3A_92 = arith.constant 0 : i32
    %dma_start3A_93 = arith.constant 0 : i32
    %dma_start3A_94 = tpu.memref_slice %arg6[%dma_start3A_91, %dma_start3A_92, %dma_start3A_93] : memref<6x128x128xf32, #tpu.memory_space<vmem>> -> memref<1x128x128xf32, #tpu.memory_space<vmem>>
    %dma_start3A_95 = tpu.memref_squeeze %dma_start3A_94 : memref<1x128x128xf32, #tpu.memory_space<vmem>> -> memref<128x128xf32, #tpu.memory_space<vmem>>
    %dma_start3A_96 = arith.constant 0 : i32
    %dma_start3A_97 = tpu.memref_slice %arg4[%add3A_90, %dma_start3A_96] : memref<819200x128xf32, #tpu.memory_space<hbm>> -> memref<128x128xf32, #tpu.memory_space<hbm>>
    %dma_start3A_98 = arith.constant 0 : i32
    %dma_start3A_99 = tpu.memref_slice %arg4[%add3A_90, %dma_start3A_98] : memref<819200x128xf32, #tpu.memory_space<hbm>> -> memref<128x128xf32, #tpu.memory_space<hbm>>
    %dma_start3A_100 = arith.constant 0 : i32
    %dma_start3A_101 = arith.constant 0 : i32
    %dma_start3A_102 = tpu.memref_slice %arg6[%dma_start3A_91, %dma_start3A_100, %dma_start3A_101] : memref<6x128x128xf32, #tpu.memory_space<vmem>> -> memref<1x128x128xf32, #tpu.memory_space<vmem>>
    %dma_start3A_103 = tpu.memref_squeeze %dma_start3A_102 : memref<1x128x128xf32, #tpu.memory_space<vmem>> -> memref<128x128xf32, #tpu.memory_space<vmem>>
    tpu.enqueue_dma source(%dma_start3A_103 : memref<128x128xf32, #tpu.memory_space<vmem>>) target(%dma_start3A_99 : memref<128x128xf32, #tpu.memory_space<hbm>>) target_semaphore(%arg9 : memref<!tpu.dma_semaphore, #tpu.memory_space<semaphore_mem>>)
    %dma_start3A_104 = arith.constant 5 : i32
    %dma_start3A_105 = arith.constant 5 : i32
    %dma_start3A_106 = arith.constant 0 : i32
    %dma_start3A_107 = arith.constant 0 : i32
    %dma_start3A_108 = tpu.memref_slice %arg6[%dma_start3A_105, %dma_start3A_106, %dma_start3A_107] : memref<6x128x128xf32, #tpu.memory_space<vmem>> -> memref<1x128x128xf32, #tpu.memory_space<vmem>>
    %dma_start3A_109 = tpu.memref_squeeze %dma_start3A_108 : memref<1x128x128xf32, #tpu.memory_space<vmem>> -> memref<128x128xf32, #tpu.memory_space<vmem>>
    %dma_start3A_110 = arith.constant 0 : i32
    %dma_start3A_111 = tpu.memref_slice %arg5[%dma_start3A_104, %dma_start3A_110] : memref<200x128xi32, #tpu.memory_space<vmem>> -> memref<1x128xi32, #tpu.memory_space<vmem>>
    %dma_start3A_112 = tpu.memref_squeeze %dma_start3A_111 : memref<1x128xi32, #tpu.memory_space<vmem>> -> memref<128xi32, #tpu.memory_space<vmem>>
    %dma_start3A_113 = arith.constant 0 : i32
    %dma_start3A_114 = arith.constant 0 : i32
    %dma_start3A_115 = tpu.memref_slice %arg3[%dma_start3A_113, %dma_start3A_114] : memref<1000000x128xf32, #tpu.memory_space<hbm>> -> memref<1000000x128xf32, #tpu.memory_space<hbm>>
    tpu.enqueue_indirect_dma source(%dma_start3A_115 : memref<1000000x128xf32, #tpu.memory_space<hbm>>) target(%dma_start3A_109 : memref<128x128xf32, #tpu.memory_space<vmem>>) offsets(%dma_start3A_112 : memref<128xi32, #tpu.memory_space<vmem>>) semaphore(%arg8 : memref<!tpu.dma_semaphore, #tpu.memory_space<semaphore_mem>>)
    %dma_wait3A_116 = arith.constant 0 : i32
    %dma_wait3A_117 = arith.constant 0 : i32
    %dma_wait3A_118 = arith.constant 0 : i32
    %dma_wait3A_119 = arith.constant 0 : i32
    %dma_wait3A_120 = tpu.memref_slice %arg6[%dma_wait3A_117, %dma_wait3A_118, %dma_wait3A_119] : memref<6x128x128xf32, #tpu.memory_space<vmem>> -> memref<1x128x128xf32, #tpu.memory_space<vmem>>
    %dma_wait3A_121 = tpu.memref_squeeze %dma_wait3A_120 : memref<1x128x128xf32, #tpu.memory_space<vmem>> -> memref<128x128xf32, #tpu.memory_space<vmem>>
    %dma_wait3A_122 = arith.constant 0 : i32
    %dma_wait3A_123 = tpu.memref_slice %arg5[%dma_wait3A_116, %dma_wait3A_122] : memref<200x128xi32, #tpu.memory_space<vmem>> -> memref<1x128xi32, #tpu.memory_space<vmem>>
    %dma_wait3A_124 = tpu.memref_squeeze %dma_wait3A_123 : memref<1x128xi32, #tpu.memory_space<vmem>> -> memref<128xi32, #tpu.memory_space<vmem>>
    %dma_wait3A_125 = arith.constant 0 : i32
    %dma_wait3A_126 = arith.constant 0 : i32
    %dma_wait3A_127 = tpu.memref_slice %arg3[%dma_wait3A_125, %dma_wait3A_126] : memref<1000000x128xf32, #tpu.memory_space<hbm>> -> memref<1000000x128xf32, #tpu.memory_space<hbm>>
    tpu.wait_indirect_dma semaphore(%arg8 : memref<!tpu.dma_semaphore, #tpu.memory_space<semaphore_mem>>) src(%dma_wait3A_127 : memref<1000000x128xf32, #tpu.memory_space<hbm>>) dst(%dma_wait3A_121 : memref<128x128xf32, #tpu.memory_space<vmem>>)
    %add3A_128 = arith.constant 128 : i32
    %add3A_129 = arith.addi %mul3A_2, %add3A_128 : i32
    %dma_start3A_130 = arith.constant 1 : i32
    %dma_start3A_131 = arith.constant 0 : i32
    %dma_start3A_132 = arith.constant 0 : i32
    %dma_start3A_133 = tpu.memref_slice %arg6[%dma_start3A_130, %dma_start3A_131, %dma_start3A_132] : memref<6x128x128xf32, #tpu.memory_space<vmem>> -> memref<1x128x128xf32, #tpu.memory_space<vmem>>
    %dma_start3A_134 = tpu.memref_squeeze %dma_start3A_133 : memref<1x128x128xf32, #tpu.memory_space<vmem>> -> memref<128x128xf32, #tpu.memory_space<vmem>>
    %dma_start3A_135 = arith.constant 0 : i32
    %dma_start3A_136 = tpu.memref_slice %arg4[%add3A_129, %dma_start3A_135] : memref<819200x128xf32, #tpu.memory_space<hbm>> -> memref<128x128xf32, #tpu.memory_space<hbm>>
    %dma_start3A_137 = arith.constant 0 : i32
    %dma_start3A_138 = tpu.memref_slice %arg4[%add3A_129, %dma_start3A_137] : memref<819200x128xf32, #tpu.memory_space<hbm>> -> memref<128x128xf32, #tpu.memory_space<hbm>>
    %dma_start3A_139 = arith.constant 0 : i32
    %dma_start3A_140 = arith.constant 0 : i32
    %dma_start3A_141 = tpu.memref_slice %arg6[%dma_start3A_130, %dma_start3A_139, %dma_start3A_140] : memref<6x128x128xf32, #tpu.memory_space<vmem>> -> memref<1x128x128xf32, #tpu.memory_space<vmem>>
    %dma_start3A_142 = tpu.memref_squeeze %dma_start3A_141 : memref<1x128x128xf32, #tpu.memory_space<vmem>> -> memref<128x128xf32, #tpu.memory_space<vmem>>
    tpu.enqueue_dma source(%dma_start3A_142 : memref<128x128xf32, #tpu.memory_space<vmem>>) target(%dma_start3A_138 : memref<128x128xf32, #tpu.memory_space<hbm>>) target_semaphore(%arg9 : memref<!tpu.dma_semaphore, #tpu.memory_space<semaphore_mem>>)
    %scan3A = arith.constant 0 : i32
    %scan3A_143 = arith.constant 0 : i32
    %scan3A_144 = arith.constant 32 : i32
    %scan3A_145 = arith.addi %scan3A_143, %scan3A_144 : i32
    %scan3A_146 = arith.constant 1 : i32
    scf.for %scan3A_438 = %scan3A_143 to %scan3A_145 step %scan3A_146  : i32 {
      %mul3A_439 = arith.constant 6 : i32
      %mul3A_440 = arith.muli %scan3A_438, %mul3A_439 : i32
      %add3A_441 = arith.constant 2 : i32
      %add3A_442 = arith.addi %add3A_441, %mul3A_440 : i32
      %add3A_443 = arith.constant 0 : i32
      %add3A_444 = arith.addi %add3A_442, %add3A_443 : i32
      %dma_wait3A_445 = arith.constant 0 : i32
      %dma_wait3A_446 = arith.constant 0 : i32
      %dma_wait3A_447 = arith.constant 0 : i32
      %dma_wait3A_448 = tpu.memref_slice %arg6[%dma_wait3A_445, %dma_wait3A_446, %dma_wait3A_447] : memref<6x128x128xf32, #tpu.memory_space<vmem>> -> memref<1x128x128xf32, #tpu.memory_space<vmem>>
      %dma_wait3A_449 = tpu.memref_squeeze %dma_wait3A_448 : memref<1x128x128xf32, #tpu.memory_space<vmem>> -> memref<128x128xf32, #tpu.memory_space<vmem>>
      %dma_wait3A_450 = arith.constant 0 : i32
      %dma_wait3A_451 = tpu.memref_slice %arg4[%mul3A_2, %dma_wait3A_450] : memref<819200x128xf32, #tpu.memory_space<hbm>> -> memref<128x128xf32, #tpu.memory_space<hbm>>
      %dma_wait3A_452 = arith.constant 0 : i32
      %dma_wait3A_453 = tpu.memref_slice %arg4[%mul3A_2, %dma_wait3A_452] : memref<819200x128xf32, #tpu.memory_space<hbm>> -> memref<128x128xf32, #tpu.memory_space<hbm>>
      %dma_wait3A_454 = arith.constant 0 : i32
      %dma_wait3A_455 = arith.constant 0 : i32
      %dma_wait3A_456 = tpu.memref_slice %arg6[%dma_wait3A_445, %dma_wait3A_454, %dma_wait3A_455] : memref<6x128x128xf32, #tpu.memory_space<vmem>> -> memref<1x128x128xf32, #tpu.memory_space<vmem>>
      %dma_wait3A_457 = tpu.memref_squeeze %dma_wait3A_456 : memref<1x128x128xf32, #tpu.memory_space<vmem>> -> memref<128x128xf32, #tpu.memory_space<vmem>>
      tpu.wait_dma2 semaphore(%arg9 : memref<!tpu.dma_semaphore, #tpu.memory_space<semaphore_mem>>) src(%dma_wait3A_457 : memref<128x128xf32, #tpu.memory_space<vmem>>) dst(%dma_wait3A_453 : memref<128x128xf32, #tpu.memory_space<hbm>>)
      %add3A_458 = arith.constant 4 : i32
      %add3A_459 = arith.addi %add3A_444, %add3A_458 : i32
      %dma_start3A_460 = arith.constant 0 : i32
      %dma_start3A_461 = arith.constant 0 : i32
      %dma_start3A_462 = arith.constant 0 : i32
      %dma_start3A_463 = tpu.memref_slice %arg6[%dma_start3A_460, %dma_start3A_461, %dma_start3A_462] : memref<6x128x128xf32, #tpu.memory_space<vmem>> -> memref<1x128x128xf32, #tpu.memory_space<vmem>>
      %dma_start3A_464 = tpu.memref_squeeze %dma_start3A_463 : memref<1x128x128xf32, #tpu.memory_space<vmem>> -> memref<128x128xf32, #tpu.memory_space<vmem>>
      %dma_start3A_465 = arith.constant 0 : i32
      %dma_start3A_466 = tpu.memref_slice %arg5[%add3A_459, %dma_start3A_465] : memref<200x128xi32, #tpu.memory_space<vmem>> -> memref<1x128xi32, #tpu.memory_space<vmem>>
      %dma_start3A_467 = tpu.memref_squeeze %dma_start3A_466 : memref<1x128xi32, #tpu.memory_space<vmem>> -> memref<128xi32, #tpu.memory_space<vmem>>
      %dma_start3A_468 = arith.constant 0 : i32
      %dma_start3A_469 = arith.constant 0 : i32
      %dma_start3A_470 = tpu.memref_slice %arg3[%dma_start3A_468, %dma_start3A_469] : memref<1000000x128xf32, #tpu.memory_space<hbm>> -> memref<1000000x128xf32, #tpu.memory_space<hbm>>
      tpu.enqueue_indirect_dma source(%dma_start3A_470 : memref<1000000x128xf32, #tpu.memory_space<hbm>>) target(%dma_start3A_464 : memref<128x128xf32, #tpu.memory_space<vmem>>) offsets(%dma_start3A_467 : memref<128xi32, #tpu.memory_space<vmem>>) semaphore(%arg8 : memref<!tpu.dma_semaphore, #tpu.memory_space<semaphore_mem>>)
      %dma_wait3A_471 = arith.constant 0 : i32
      %dma_wait3A_472 = arith.constant 0 : i32
      %dma_wait3A_473 = arith.constant 0 : i32
      %dma_wait3A_474 = arith.constant 0 : i32
      %dma_wait3A_475 = tpu.memref_slice %arg6[%dma_wait3A_472, %dma_wait3A_473, %dma_wait3A_474] : memref<6x128x128xf32, #tpu.memory_space<vmem>> -> memref<1x128x128xf32, #tpu.memory_space<vmem>>
      %dma_wait3A_476 = tpu.memref_squeeze %dma_wait3A_475 : memref<1x128x128xf32, #tpu.memory_space<vmem>> -> memref<128x128xf32, #tpu.memory_space<vmem>>
      %dma_wait3A_477 = arith.constant 0 : i32
      %dma_wait3A_478 = tpu.memref_slice %arg5[%dma_wait3A_471, %dma_wait3A_477] : memref<200x128xi32, #tpu.memory_space<vmem>> -> memref<1x128xi32, #tpu.memory_space<vmem>>
      %dma_wait3A_479 = tpu.memref_squeeze %dma_wait3A_478 : memref<1x128xi32, #tpu.memory_space<vmem>> -> memref<128xi32, #tpu.memory_space<vmem>>
      %dma_wait3A_480 = arith.constant 0 : i32
      %dma_wait3A_481 = arith.constant 0 : i32
      %dma_wait3A_482 = tpu.memref_slice %arg3[%dma_wait3A_480, %dma_wait3A_481] : memref<1000000x128xf32, #tpu.memory_space<hbm>> -> memref<1000000x128xf32, #tpu.memory_space<hbm>>
      tpu.wait_indirect_dma semaphore(%arg8 : memref<!tpu.dma_semaphore, #tpu.memory_space<semaphore_mem>>) src(%dma_wait3A_482 : memref<1000000x128xf32, #tpu.memory_space<hbm>>) dst(%dma_wait3A_476 : memref<128x128xf32, #tpu.memory_space<vmem>>)
      %mul3A_483 = arith.constant 128 : i32
      %mul3A_484 = arith.muli %add3A_444, %mul3A_483 : i32
      %add3A_485 = arith.addi %mul3A_2, %mul3A_484 : i32
      %dma_start3A_486 = arith.constant 2 : i32
      %dma_start3A_487 = arith.constant 0 : i32
      %dma_start3A_488 = arith.constant 0 : i32
      %dma_start3A_489 = tpu.memref_slice %arg6[%dma_start3A_486, %dma_start3A_487, %dma_start3A_488] : memref<6x128x128xf32, #tpu.memory_space<vmem>> -> memref<1x128x128xf32, #tpu.memory_space<vmem>>
      %dma_start3A_490 = tpu.memref_squeeze %dma_start3A_489 : memref<1x128x128xf32, #tpu.memory_space<vmem>> -> memref<128x128xf32, #tpu.memory_space<vmem>>
      %dma_start3A_491 = arith.constant 0 : i32
      %dma_start3A_492 = tpu.memref_slice %arg4[%add3A_485, %dma_start3A_491] : memref<819200x128xf32, #tpu.memory_space<hbm>> -> memref<128x128xf32, #tpu.memory_space<hbm>>
      %dma_start3A_493 = arith.constant 0 : i32
      %dma_start3A_494 = tpu.memref_slice %arg4[%add3A_485, %dma_start3A_493] : memref<819200x128xf32, #tpu.memory_space<hbm>> -> memref<128x128xf32, #tpu.memory_space<hbm>>
      %dma_start3A_495 = arith.constant 0 : i32
      %dma_start3A_496 = arith.constant 0 : i32
      %dma_start3A_497 = tpu.memref_slice %arg6[%dma_start3A_486, %dma_start3A_495, %dma_start3A_496] : memref<6x128x128xf32, #tpu.memory_space<vmem>> -> memref<1x128x128xf32, #tpu.memory_space<vmem>>
      %dma_start3A_498 = tpu.memref_squeeze %dma_start3A_497 : memref<1x128x128xf32, #tpu.memory_space<vmem>> -> memref<128x128xf32, #tpu.memory_space<vmem>>
      tpu.enqueue_dma source(%dma_start3A_498 : memref<128x128xf32, #tpu.memory_space<vmem>>) target(%dma_start3A_494 : memref<128x128xf32, #tpu.memory_space<hbm>>) target_semaphore(%arg9 : memref<!tpu.dma_semaphore, #tpu.memory_space<semaphore_mem>>)
      %mul3A_499 = arith.constant 6 : i32
      %mul3A_500 = arith.muli %scan3A_438, %mul3A_499 : i32
      %add3A_501 = arith.constant 2 : i32
      %add3A_502 = arith.addi %add3A_501, %mul3A_500 : i32
      %add3A_503 = arith.constant 1 : i32
      %add3A_504 = arith.addi %add3A_502, %add3A_503 : i32
      %dma_wait3A_505 = arith.constant 0 : i32
      %dma_wait3A_506 = arith.constant 0 : i32
      %dma_wait3A_507 = arith.constant 0 : i32
      %dma_wait3A_508 = tpu.memref_slice %arg6[%dma_wait3A_505, %dma_wait3A_506, %dma_wait3A_507] : memref<6x128x128xf32, #tpu.memory_space<vmem>> -> memref<1x128x128xf32, #tpu.memory_space<vmem>>
      %dma_wait3A_509 = tpu.memref_squeeze %dma_wait3A_508 : memref<1x128x128xf32, #tpu.memory_space<vmem>> -> memref<128x128xf32, #tpu.memory_space<vmem>>
      %dma_wait3A_510 = arith.constant 0 : i32
      %dma_wait3A_511 = tpu.memref_slice %arg4[%mul3A_2, %dma_wait3A_510] : memref<819200x128xf32, #tpu.memory_space<hbm>> -> memref<128x128xf32, #tpu.memory_space<hbm>>
      %dma_wait3A_512 = arith.constant 0 : i32
      %dma_wait3A_513 = tpu.memref_slice %arg4[%mul3A_2, %dma_wait3A_512] : memref<819200x128xf32, #tpu.memory_space<hbm>> -> memref<128x128xf32, #tpu.memory_space<hbm>>
      %dma_wait3A_514 = arith.constant 0 : i32
      %dma_wait3A_515 = arith.constant 0 : i32
      %dma_wait3A_516 = tpu.memref_slice %arg6[%dma_wait3A_505, %dma_wait3A_514, %dma_wait3A_515] : memref<6x128x128xf32, #tpu.memory_space<vmem>> -> memref<1x128x128xf32, #tpu.memory_space<vmem>>
      %dma_wait3A_517 = tpu.memref_squeeze %dma_wait3A_516 : memref<1x128x128xf32, #tpu.memory_space<vmem>> -> memref<128x128xf32, #tpu.memory_space<vmem>>
      tpu.wait_dma2 semaphore(%arg9 : memref<!tpu.dma_semaphore, #tpu.memory_space<semaphore_mem>>) src(%dma_wait3A_517 : memref<128x128xf32, #tpu.memory_space<vmem>>) dst(%dma_wait3A_513 : memref<128x128xf32, #tpu.memory_space<hbm>>)
      %add3A_518 = arith.constant 4 : i32
      %add3A_519 = arith.addi %add3A_504, %add3A_518 : i32
      %dma_start3A_520 = arith.constant 1 : i32
      %dma_start3A_521 = arith.constant 0 : i32
      %dma_start3A_522 = arith.constant 0 : i32
      %dma_start3A_523 = tpu.memref_slice %arg6[%dma_start3A_520, %dma_start3A_521, %dma_start3A_522] : memref<6x128x128xf32, #tpu.memory_space<vmem>> -> memref<1x128x128xf32, #tpu.memory_space<vmem>>
      %dma_start3A_524 = tpu.memref_squeeze %dma_start3A_523 : memref<1x128x128xf32, #tpu.memory_space<vmem>> -> memref<128x128xf32, #tpu.memory_space<vmem>>
      %dma_start3A_525 = arith.constant 0 : i32
      %dma_start3A_526 = tpu.memref_slice %arg5[%add3A_519, %dma_start3A_525] : memref<200x128xi32, #tpu.memory_space<vmem>> -> memref<1x128xi32, #tpu.memory_space<vmem>>
      %dma_start3A_527 = tpu.memref_squeeze %dma_start3A_526 : memref<1x128xi32, #tpu.memory_space<vmem>> -> memref<128xi32, #tpu.memory_space<vmem>>
      %dma_start3A_528 = arith.constant 0 : i32
      %dma_start3A_529 = arith.constant 0 : i32
      %dma_start3A_530 = tpu.memref_slice %arg3[%dma_start3A_528, %dma_start3A_529] : memref<1000000x128xf32, #tpu.memory_space<hbm>> -> memref<1000000x128xf32, #tpu.memory_space<hbm>>
      tpu.enqueue_indirect_dma source(%dma_start3A_530 : memref<1000000x128xf32, #tpu.memory_space<hbm>>) target(%dma_start3A_524 : memref<128x128xf32, #tpu.memory_space<vmem>>) offsets(%dma_start3A_527 : memref<128xi32, #tpu.memory_space<vmem>>) semaphore(%arg8 : memref<!tpu.dma_semaphore, #tpu.memory_space<semaphore_mem>>)
      %dma_wait3A_531 = arith.constant 0 : i32
      %dma_wait3A_532 = arith.constant 0 : i32
      %dma_wait3A_533 = arith.constant 0 : i32
      %dma_wait3A_534 = arith.constant 0 : i32
      %dma_wait3A_535 = tpu.memref_slice %arg6[%dma_wait3A_532, %dma_wait3A_533, %dma_wait3A_534] : memref<6x128x128xf32, #tpu.memory_space<vmem>> -> memref<1x128x128xf32, #tpu.memory_space<vmem>>
      %dma_wait3A_536 = tpu.memref_squeeze %dma_wait3A_535 : memref<1x128x128xf32, #tpu.memory_space<vmem>> -> memref<128x128xf32, #tpu.memory_space<vmem>>
      %dma_wait3A_537 = arith.constant 0 : i32
      %dma_wait3A_538 = tpu.memref_slice %arg5[%dma_wait3A_531, %dma_wait3A_537] : memref<200x128xi32, #tpu.memory_space<vmem>> -> memref<1x128xi32, #tpu.memory_space<vmem>>
      %dma_wait3A_539 = tpu.memref_squeeze %dma_wait3A_538 : memref<1x128xi32, #tpu.memory_space<vmem>> -> memref<128xi32, #tpu.memory_space<vmem>>
      %dma_wait3A_540 = arith.constant 0 : i32
      %dma_wait3A_541 = arith.constant 0 : i32
      %dma_wait3A_542 = tpu.memref_slice %arg3[%dma_wait3A_540, %dma_wait3A_541] : memref<1000000x128xf32, #tpu.memory_space<hbm>> -> memref<1000000x128xf32, #tpu.memory_space<hbm>>
      tpu.wait_indirect_dma semaphore(%arg8 : memref<!tpu.dma_semaphore, #tpu.memory_space<semaphore_mem>>) src(%dma_wait3A_542 : memref<1000000x128xf32, #tpu.memory_space<hbm>>) dst(%dma_wait3A_536 : memref<128x128xf32, #tpu.memory_space<vmem>>)
      %mul3A_543 = arith.constant 128 : i32
      %mul3A_544 = arith.muli %add3A_504, %mul3A_543 : i32
      %add3A_545 = arith.addi %mul3A_2, %mul3A_544 : i32
      %dma_start3A_546 = arith.constant 3 : i32
      %dma_start3A_547 = arith.constant 0 : i32
      %dma_start3A_548 = arith.constant 0 : i32
      %dma_start3A_549 = tpu.memref_slice %arg6[%dma_start3A_546, %dma_start3A_547, %dma_start3A_548] : memref<6x128x128xf32, #tpu.memory_space<vmem>> -> memref<1x128x128xf32, #tpu.memory_space<vmem>>
      %dma_start3A_550 = tpu.memref_squeeze %dma_start3A_549 : memref<1x128x128xf32, #tpu.memory_space<vmem>> -> memref<128x128xf32, #tpu.memory_space<vmem>>
      %dma_start3A_551 = arith.constant 0 : i32
      %dma_start3A_552 = tpu.memref_slice %arg4[%add3A_545, %dma_start3A_551] : memref<819200x128xf32, #tpu.memory_space<hbm>> -> memref<128x128xf32, #tpu.memory_space<hbm>>
      %dma_start3A_553 = arith.constant 0 : i32
      %dma_start3A_554 = tpu.memref_slice %arg4[%add3A_545, %dma_start3A_553] : memref<819200x128xf32, #tpu.memory_space<hbm>> -> memref<128x128xf32, #tpu.memory_space<hbm>>
      %dma_start3A_555 = arith.constant 0 : i32
      %dma_start3A_556 = arith.constant 0 : i32
      %dma_start3A_557 = tpu.memref_slice %arg6[%dma_start3A_546, %dma_start3A_555, %dma_start3A_556] : memref<6x128x128xf32, #tpu.memory_space<vmem>> -> memref<1x128x128xf32, #tpu.memory_space<vmem>>
      %dma_start3A_558 = tpu.memref_squeeze %dma_start3A_557 : memref<1x128x128xf32, #tpu.memory_space<vmem>> -> memref<128x128xf32, #tpu.memory_space<vmem>>
      tpu.enqueue_dma source(%dma_start3A_558 : memref<128x128xf32, #tpu.memory_space<vmem>>) target(%dma_start3A_554 : memref<128x128xf32, #tpu.memory_space<hbm>>) target_semaphore(%arg9 : memref<!tpu.dma_semaphore, #tpu.memory_space<semaphore_mem>>)
      %mul3A_559 = arith.constant 6 : i32
      %mul3A_560 = arith.muli %scan3A_438, %mul3A_559 : i32
      %add3A_561 = arith.constant 2 : i32
      %add3A_562 = arith.addi %add3A_561, %mul3A_560 : i32
      %add3A_563 = arith.constant 2 : i32
      %add3A_564 = arith.addi %add3A_562, %add3A_563 : i32
      %dma_wait3A_565 = arith.constant 0 : i32
      %dma_wait3A_566 = arith.constant 0 : i32
      %dma_wait3A_567 = arith.constant 0 : i32
      %dma_wait3A_568 = tpu.memref_slice %arg6[%dma_wait3A_565, %dma_wait3A_566, %dma_wait3A_567] : memref<6x128x128xf32, #tpu.memory_space<vmem>> -> memref<1x128x128xf32, #tpu.memory_space<vmem>>
      %dma_wait3A_569 = tpu.memref_squeeze %dma_wait3A_568 : memref<1x128x128xf32, #tpu.memory_space<vmem>> -> memref<128x128xf32, #tpu.memory_space<vmem>>
      %dma_wait3A_570 = arith.constant 0 : i32
      %dma_wait3A_571 = tpu.memref_slice %arg4[%mul3A_2, %dma_wait3A_570] : memref<819200x128xf32, #tpu.memory_space<hbm>> -> memref<128x128xf32, #tpu.memory_space<hbm>>
      %dma_wait3A_572 = arith.constant 0 : i32
      %dma_wait3A_573 = tpu.memref_slice %arg4[%mul3A_2, %dma_wait3A_572] : memref<819200x128xf32, #tpu.memory_space<hbm>> -> memref<128x128xf32, #tpu.memory_space<hbm>>
      %dma_wait3A_574 = arith.constant 0 : i32
      %dma_wait3A_575 = arith.constant 0 : i32
      %dma_wait3A_576 = tpu.memref_slice %arg6[%dma_wait3A_565, %dma_wait3A_574, %dma_wait3A_575] : memref<6x128x128xf32, #tpu.memory_space<vmem>> -> memref<1x128x128xf32, #tpu.memory_space<vmem>>
      %dma_wait3A_577 = tpu.memref_squeeze %dma_wait3A_576 : memref<1x128x128xf32, #tpu.memory_space<vmem>> -> memref<128x128xf32, #tpu.memory_space<vmem>>
      tpu.wait_dma2 semaphore(%arg9 : memref<!tpu.dma_semaphore, #tpu.memory_space<semaphore_mem>>) src(%dma_wait3A_577 : memref<128x128xf32, #tpu.memory_space<vmem>>) dst(%dma_wait3A_573 : memref<128x128xf32, #tpu.memory_space<hbm>>)
      %add3A_578 = arith.constant 4 : i32
      %add3A_579 = arith.addi %add3A_564, %add3A_578 : i32
      %dma_start3A_580 = arith.constant 2 : i32
      %dma_start3A_581 = arith.constant 0 : i32
      %dma_start3A_582 = arith.constant 0 : i32
      %dma_start3A_583 = tpu.memref_slice %arg6[%dma_start3A_580, %dma_start3A_581, %dma_start3A_582] : memref<6x128x128xf32, #tpu.memory_space<vmem>> -> memref<1x128x128xf32, #tpu.memory_space<vmem>>
      %dma_start3A_584 = tpu.memref_squeeze %dma_start3A_583 : memref<1x128x128xf32, #tpu.memory_space<vmem>> -> memref<128x128xf32, #tpu.memory_space<vmem>>
      %dma_start3A_585 = arith.constant 0 : i32
      %dma_start3A_586 = tpu.memref_slice %arg5[%add3A_579, %dma_start3A_585] : memref<200x128xi32, #tpu.memory_space<vmem>> -> memref<1x128xi32, #tpu.memory_space<vmem>>
      %dma_start3A_587 = tpu.memref_squeeze %dma_start3A_586 : memref<1x128xi32, #tpu.memory_space<vmem>> -> memref<128xi32, #tpu.memory_space<vmem>>
      %dma_start3A_588 = arith.constant 0 : i32
      %dma_start3A_589 = arith.constant 0 : i32
      %dma_start3A_590 = tpu.memref_slice %arg3[%dma_start3A_588, %dma_start3A_589] : memref<1000000x128xf32, #tpu.memory_space<hbm>> -> memref<1000000x128xf32, #tpu.memory_space<hbm>>
      tpu.enqueue_indirect_dma source(%dma_start3A_590 : memref<1000000x128xf32, #tpu.memory_space<hbm>>) target(%dma_start3A_584 : memref<128x128xf32, #tpu.memory_space<vmem>>) offsets(%dma_start3A_587 : memref<128xi32, #tpu.memory_space<vmem>>) semaphore(%arg8 : memref<!tpu.dma_semaphore, #tpu.memory_space<semaphore_mem>>)
      %dma_wait3A_591 = arith.constant 0 : i32
      %dma_wait3A_592 = arith.constant 0 : i32
      %dma_wait3A_593 = arith.constant 0 : i32
      %dma_wait3A_594 = arith.constant 0 : i32
      %dma_wait3A_595 = tpu.memref_slice %arg6[%dma_wait3A_592, %dma_wait3A_593, %dma_wait3A_594] : memref<6x128x128xf32, #tpu.memory_space<vmem>> -> memref<1x128x128xf32, #tpu.memory_space<vmem>>
      %dma_wait3A_596 = tpu.memref_squeeze %dma_wait3A_595 : memref<1x128x128xf32, #tpu.memory_space<vmem>> -> memref<128x128xf32, #tpu.memory_space<vmem>>
      %dma_wait3A_597 = arith.constant 0 : i32
      %dma_wait3A_598 = tpu.memref_slice %arg5[%dma_wait3A_591, %dma_wait3A_597] : memref<200x128xi32, #tpu.memory_space<vmem>> -> memref<1x128xi32, #tpu.memory_space<vmem>>
      %dma_wait3A_599 = tpu.memref_squeeze %dma_wait3A_598 : memref<1x128xi32, #tpu.memory_space<vmem>> -> memref<128xi32, #tpu.memory_space<vmem>>
      %dma_wait3A_600 = arith.constant 0 : i32
      %dma_wait3A_601 = arith.constant 0 : i32
      %dma_wait3A_602 = tpu.memref_slice %arg3[%dma_wait3A_600, %dma_wait3A_601] : memref<1000000x128xf32, #tpu.memory_space<hbm>> -> memref<1000000x128xf32, #tpu.memory_space<hbm>>
      tpu.wait_indirect_dma semaphore(%arg8 : memref<!tpu.dma_semaphore, #tpu.memory_space<semaphore_mem>>) src(%dma_wait3A_602 : memref<1000000x128xf32, #tpu.memory_space<hbm>>) dst(%dma_wait3A_596 : memref<128x128xf32, #tpu.memory_space<vmem>>)
      %mul3A_603 = arith.constant 128 : i32
      %mul3A_604 = arith.muli %add3A_564, %mul3A_603 : i32
      %add3A_605 = arith.addi %mul3A_2, %mul3A_604 : i32
      %dma_start3A_606 = arith.constant 4 : i32
      %dma_start3A_607 = arith.constant 0 : i32
      %dma_start3A_608 = arith.constant 0 : i32
      %dma_start3A_609 = tpu.memref_slice %arg6[%dma_start3A_606, %dma_start3A_607, %dma_start3A_608] : memref<6x128x128xf32, #tpu.memory_space<vmem>> -> memref<1x128x128xf32, #tpu.memory_space<vmem>>
      %dma_start3A_610 = tpu.memref_squeeze %dma_start3A_609 : memref<1x128x128xf32, #tpu.memory_space<vmem>> -> memref<128x128xf32, #tpu.memory_space<vmem>>
      %dma_start3A_611 = arith.constant 0 : i32
      %dma_start3A_612 = tpu.memref_slice %arg4[%add3A_605, %dma_start3A_611] : memref<819200x128xf32, #tpu.memory_space<hbm>> -> memref<128x128xf32, #tpu.memory_space<hbm>>
      %dma_start3A_613 = arith.constant 0 : i32
      %dma_start3A_614 = tpu.memref_slice %arg4[%add3A_605, %dma_start3A_613] : memref<819200x128xf32, #tpu.memory_space<hbm>> -> memref<128x128xf32, #tpu.memory_space<hbm>>
      %dma_start3A_615 = arith.constant 0 : i32
      %dma_start3A_616 = arith.constant 0 : i32
      %dma_start3A_617 = tpu.memref_slice %arg6[%dma_start3A_606, %dma_start3A_615, %dma_start3A_616] : memref<6x128x128xf32, #tpu.memory_space<vmem>> -> memref<1x128x128xf32, #tpu.memory_space<vmem>>
      %dma_start3A_618 = tpu.memref_squeeze %dma_start3A_617 : memref<1x128x128xf32, #tpu.memory_space<vmem>> -> memref<128x128xf32, #tpu.memory_space<vmem>>
      tpu.enqueue_dma source(%dma_start3A_618 : memref<128x128xf32, #tpu.memory_space<vmem>>) target(%dma_start3A_614 : memref<128x128xf32, #tpu.memory_space<hbm>>) target_semaphore(%arg9 : memref<!tpu.dma_semaphore, #tpu.memory_space<semaphore_mem>>)
      %mul3A_619 = arith.constant 6 : i32
      %mul3A_620 = arith.muli %scan3A_438, %mul3A_619 : i32
      %add3A_621 = arith.constant 2 : i32
      %add3A_622 = arith.addi %add3A_621, %mul3A_620 : i32
      %add3A_623 = arith.constant 3 : i32
      %add3A_624 = arith.addi %add3A_622, %add3A_623 : i32
      %dma_wait3A_625 = arith.constant 0 : i32
      %dma_wait3A_626 = arith.constant 0 : i32
      %dma_wait3A_627 = arith.constant 0 : i32
      %dma_wait3A_628 = tpu.memref_slice %arg6[%dma_wait3A_625, %dma_wait3A_626, %dma_wait3A_627] : memref<6x128x128xf32, #tpu.memory_space<vmem>> -> memref<1x128x128xf32, #tpu.memory_space<vmem>>
      %dma_wait3A_629 = tpu.memref_squeeze %dma_wait3A_628 : memref<1x128x128xf32, #tpu.memory_space<vmem>> -> memref<128x128xf32, #tpu.memory_space<vmem>>
      %dma_wait3A_630 = arith.constant 0 : i32
      %dma_wait3A_631 = tpu.memref_slice %arg4[%mul3A_2, %dma_wait3A_630] : memref<819200x128xf32, #tpu.memory_space<hbm>> -> memref<128x128xf32, #tpu.memory_space<hbm>>
      %dma_wait3A_632 = arith.constant 0 : i32
      %dma_wait3A_633 = tpu.memref_slice %arg4[%mul3A_2, %dma_wait3A_632] : memref<819200x128xf32, #tpu.memory_space<hbm>> -> memref<128x128xf32, #tpu.memory_space<hbm>>
      %dma_wait3A_634 = arith.constant 0 : i32
      %dma_wait3A_635 = arith.constant 0 : i32
      %dma_wait3A_636 = tpu.memref_slice %arg6[%dma_wait3A_625, %dma_wait3A_634, %dma_wait3A_635] : memref<6x128x128xf32, #tpu.memory_space<vmem>> -> memref<1x128x128xf32, #tpu.memory_space<vmem>>
      %dma_wait3A_637 = tpu.memref_squeeze %dma_wait3A_636 : memref<1x128x128xf32, #tpu.memory_space<vmem>> -> memref<128x128xf32, #tpu.memory_space<vmem>>
      tpu.wait_dma2 semaphore(%arg9 : memref<!tpu.dma_semaphore, #tpu.memory_space<semaphore_mem>>) src(%dma_wait3A_637 : memref<128x128xf32, #tpu.memory_space<vmem>>) dst(%dma_wait3A_633 : memref<128x128xf32, #tpu.memory_space<hbm>>)
      %add3A_638 = arith.constant 4 : i32
      %add3A_639 = arith.addi %add3A_624, %add3A_638 : i32
      %dma_start3A_640 = arith.constant 3 : i32
      %dma_start3A_641 = arith.constant 0 : i32
      %dma_start3A_642 = arith.constant 0 : i32
      %dma_start3A_643 = tpu.memref_slice %arg6[%dma_start3A_640, %dma_start3A_641, %dma_start3A_642] : memref<6x128x128xf32, #tpu.memory_space<vmem>> -> memref<1x128x128xf32, #tpu.memory_space<vmem>>
      %dma_start3A_644 = tpu.memref_squeeze %dma_start3A_643 : memref<1x128x128xf32, #tpu.memory_space<vmem>> -> memref<128x128xf32, #tpu.memory_space<vmem>>
      %dma_start3A_645 = arith.constant 0 : i32
      %dma_start3A_646 = tpu.memref_slice %arg5[%add3A_639, %dma_start3A_645] : memref<200x128xi32, #tpu.memory_space<vmem>> -> memref<1x128xi32, #tpu.memory_space<vmem>>
      %dma_start3A_647 = tpu.memref_squeeze %dma_start3A_646 : memref<1x128xi32, #tpu.memory_space<vmem>> -> memref<128xi32, #tpu.memory_space<vmem>>
      %dma_start3A_648 = arith.constant 0 : i32
      %dma_start3A_649 = arith.constant 0 : i32
      %dma_start3A_650 = tpu.memref_slice %arg3[%dma_start3A_648, %dma_start3A_649] : memref<1000000x128xf32, #tpu.memory_space<hbm>> -> memref<1000000x128xf32, #tpu.memory_space<hbm>>
      tpu.enqueue_indirect_dma source(%dma_start3A_650 : memref<1000000x128xf32, #tpu.memory_space<hbm>>) target(%dma_start3A_644 : memref<128x128xf32, #tpu.memory_space<vmem>>) offsets(%dma_start3A_647 : memref<128xi32, #tpu.memory_space<vmem>>) semaphore(%arg8 : memref<!tpu.dma_semaphore, #tpu.memory_space<semaphore_mem>>)
      %dma_wait3A_651 = arith.constant 0 : i32
      %dma_wait3A_652 = arith.constant 0 : i32
      %dma_wait3A_653 = arith.constant 0 : i32
      %dma_wait3A_654 = arith.constant 0 : i32
      %dma_wait3A_655 = tpu.memref_slice %arg6[%dma_wait3A_652, %dma_wait3A_653, %dma_wait3A_654] : memref<6x128x128xf32, #tpu.memory_space<vmem>> -> memref<1x128x128xf32, #tpu.memory_space<vmem>>
      %dma_wait3A_656 = tpu.memref_squeeze %dma_wait3A_655 : memref<1x128x128xf32, #tpu.memory_space<vmem>> -> memref<128x128xf32, #tpu.memory_space<vmem>>
      %dma_wait3A_657 = arith.constant 0 : i32
      %dma_wait3A_658 = tpu.memref_slice %arg5[%dma_wait3A_651, %dma_wait3A_657] : memref<200x128xi32, #tpu.memory_space<vmem>> -> memref<1x128xi32, #tpu.memory_space<vmem>>
      %dma_wait3A_659 = tpu.memref_squeeze %dma_wait3A_658 : memref<1x128xi32, #tpu.memory_space<vmem>> -> memref<128xi32, #tpu.memory_space<vmem>>
      %dma_wait3A_660 = arith.constant 0 : i32
      %dma_wait3A_661 = arith.constant 0 : i32
      %dma_wait3A_662 = tpu.memref_slice %arg3[%dma_wait3A_660, %dma_wait3A_661] : memref<1000000x128xf32, #tpu.memory_space<hbm>> -> memref<1000000x128xf32, #tpu.memory_space<hbm>>
      tpu.wait_indirect_dma semaphore(%arg8 : memref<!tpu.dma_semaphore, #tpu.memory_space<semaphore_mem>>) src(%dma_wait3A_662 : memref<1000000x128xf32, #tpu.memory_space<hbm>>) dst(%dma_wait3A_656 : memref<128x128xf32, #tpu.memory_space<vmem>>)
      %mul3A_663 = arith.constant 128 : i32
      %mul3A_664 = arith.muli %add3A_624, %mul3A_663 : i32
      %add3A_665 = arith.addi %mul3A_2, %mul3A_664 : i32
      %dma_start3A_666 = arith.constant 5 : i32
      %dma_start3A_667 = arith.constant 0 : i32
      %dma_start3A_668 = arith.constant 0 : i32
      %dma_start3A_669 = tpu.memref_slice %arg6[%dma_start3A_666, %dma_start3A_667, %dma_start3A_668] : memref<6x128x128xf32, #tpu.memory_space<vmem>> -> memref<1x128x128xf32, #tpu.memory_space<vmem>>
      %dma_start3A_670 = tpu.memref_squeeze %dma_start3A_669 : memref<1x128x128xf32, #tpu.memory_space<vmem>> -> memref<128x128xf32, #tpu.memory_space<vmem>>
      %dma_start3A_671 = arith.constant 0 : i32
      %dma_start3A_672 = tpu.memref_slice %arg4[%add3A_665, %dma_start3A_671] : memref<819200x128xf32, #tpu.memory_space<hbm>> -> memref<128x128xf32, #tpu.memory_space<hbm>>
      %dma_start3A_673 = arith.constant 0 : i32
      %dma_start3A_674 = tpu.memref_slice %arg4[%add3A_665, %dma_start3A_673] : memref<819200x128xf32, #tpu.memory_space<hbm>> -> memref<128x128xf32, #tpu.memory_space<hbm>>
      %dma_start3A_675 = arith.constant 0 : i32
      %dma_start3A_676 = arith.constant 0 : i32
      %dma_start3A_677 = tpu.memref_slice %arg6[%dma_start3A_666, %dma_start3A_675, %dma_start3A_676] : memref<6x128x128xf32, #tpu.memory_space<vmem>> -> memref<1x128x128xf32, #tpu.memory_space<vmem>>
      %dma_start3A_678 = tpu.memref_squeeze %dma_start3A_677 : memref<1x128x128xf32, #tpu.memory_space<vmem>> -> memref<128x128xf32, #tpu.memory_space<vmem>>
      tpu.enqueue_dma source(%dma_start3A_678 : memref<128x128xf32, #tpu.memory_space<vmem>>) target(%dma_start3A_674 : memref<128x128xf32, #tpu.memory_space<hbm>>) target_semaphore(%arg9 : memref<!tpu.dma_semaphore, #tpu.memory_space<semaphore_mem>>)
      %mul3A_679 = arith.constant 6 : i32
      %mul3A_680 = arith.muli %scan3A_438, %mul3A_679 : i32
      %add3A_681 = arith.constant 2 : i32
      %add3A_682 = arith.addi %add3A_681, %mul3A_680 : i32
      %add3A_683 = arith.constant 4 : i32
      %add3A_684 = arith.addi %add3A_682, %add3A_683 : i32
      %dma_wait3A_685 = arith.constant 0 : i32
      %dma_wait3A_686 = arith.constant 0 : i32
      %dma_wait3A_687 = arith.constant 0 : i32
      %dma_wait3A_688 = tpu.memref_slice %arg6[%dma_wait3A_685, %dma_wait3A_686, %dma_wait3A_687] : memref<6x128x128xf32, #tpu.memory_space<vmem>> -> memref<1x128x128xf32, #tpu.memory_space<vmem>>
      %dma_wait3A_689 = tpu.memref_squeeze %dma_wait3A_688 : memref<1x128x128xf32, #tpu.memory_space<vmem>> -> memref<128x128xf32, #tpu.memory_space<vmem>>
      %dma_wait3A_690 = arith.constant 0 : i32
      %dma_wait3A_691 = tpu.memref_slice %arg4[%mul3A_2, %dma_wait3A_690] : memref<819200x128xf32, #tpu.memory_space<hbm>> -> memref<128x128xf32, #tpu.memory_space<hbm>>
      %dma_wait3A_692 = arith.constant 0 : i32
      %dma_wait3A_693 = tpu.memref_slice %arg4[%mul3A_2, %dma_wait3A_692] : memref<819200x128xf32, #tpu.memory_space<hbm>> -> memref<128x128xf32, #tpu.memory_space<hbm>>
      %dma_wait3A_694 = arith.constant 0 : i32
      %dma_wait3A_695 = arith.constant 0 : i32
      %dma_wait3A_696 = tpu.memref_slice %arg6[%dma_wait3A_685, %dma_wait3A_694, %dma_wait3A_695] : memref<6x128x128xf32, #tpu.memory_space<vmem>> -> memref<1x128x128xf32, #tpu.memory_space<vmem>>
      %dma_wait3A_697 = tpu.memref_squeeze %dma_wait3A_696 : memref<1x128x128xf32, #tpu.memory_space<vmem>> -> memref<128x128xf32, #tpu.memory_space<vmem>>
      tpu.wait_dma2 semaphore(%arg9 : memref<!tpu.dma_semaphore, #tpu.memory_space<semaphore_mem>>) src(%dma_wait3A_697 : memref<128x128xf32, #tpu.memory_space<vmem>>) dst(%dma_wait3A_693 : memref<128x128xf32, #tpu.memory_space<hbm>>)
      %add3A_698 = arith.constant 4 : i32
      %add3A_699 = arith.addi %add3A_684, %add3A_698 : i32
      %dma_start3A_700 = arith.constant 4 : i32
      %dma_start3A_701 = arith.constant 0 : i32
      %dma_start3A_702 = arith.constant 0 : i32
      %dma_start3A_703 = tpu.memref_slice %arg6[%dma_start3A_700, %dma_start3A_701, %dma_start3A_702] : memref<6x128x128xf32, #tpu.memory_space<vmem>> -> memref<1x128x128xf32, #tpu.memory_space<vmem>>
      %dma_start3A_704 = tpu.memref_squeeze %dma_start3A_703 : memref<1x128x128xf32, #tpu.memory_space<vmem>> -> memref<128x128xf32, #tpu.memory_space<vmem>>
      %dma_start3A_705 = arith.constant 0 : i32
      %dma_start3A_706 = tpu.memref_slice %arg5[%add3A_699, %dma_start3A_705] : memref<200x128xi32, #tpu.memory_space<vmem>> -> memref<1x128xi32, #tpu.memory_space<vmem>>
      %dma_start3A_707 = tpu.memref_squeeze %dma_start3A_706 : memref<1x128xi32, #tpu.memory_space<vmem>> -> memref<128xi32, #tpu.memory_space<vmem>>
      %dma_start3A_708 = arith.constant 0 : i32
      %dma_start3A_709 = arith.constant 0 : i32
      %dma_start3A_710 = tpu.memref_slice %arg3[%dma_start3A_708, %dma_start3A_709] : memref<1000000x128xf32, #tpu.memory_space<hbm>> -> memref<1000000x128xf32, #tpu.memory_space<hbm>>
      tpu.enqueue_indirect_dma source(%dma_start3A_710 : memref<1000000x128xf32, #tpu.memory_space<hbm>>) target(%dma_start3A_704 : memref<128x128xf32, #tpu.memory_space<vmem>>) offsets(%dma_start3A_707 : memref<128xi32, #tpu.memory_space<vmem>>) semaphore(%arg8 : memref<!tpu.dma_semaphore, #tpu.memory_space<semaphore_mem>>)
      %dma_wait3A_711 = arith.constant 0 : i32
      %dma_wait3A_712 = arith.constant 0 : i32
      %dma_wait3A_713 = arith.constant 0 : i32
      %dma_wait3A_714 = arith.constant 0 : i32
      %dma_wait3A_715 = tpu.memref_slice %arg6[%dma_wait3A_712, %dma_wait3A_713, %dma_wait3A_714] : memref<6x128x128xf32, #tpu.memory_space<vmem>> -> memref<1x128x128xf32, #tpu.memory_space<vmem>>
      %dma_wait3A_716 = tpu.memref_squeeze %dma_wait3A_715 : memref<1x128x128xf32, #tpu.memory_space<vmem>> -> memref<128x128xf32, #tpu.memory_space<vmem>>
      %dma_wait3A_717 = arith.constant 0 : i32
      %dma_wait3A_718 = tpu.memref_slice %arg5[%dma_wait3A_711, %dma_wait3A_717] : memref<200x128xi32, #tpu.memory_space<vmem>> -> memref<1x128xi32, #tpu.memory_space<vmem>>
      %dma_wait3A_719 = tpu.memref_squeeze %dma_wait3A_718 : memref<1x128xi32, #tpu.memory_space<vmem>> -> memref<128xi32, #tpu.memory_space<vmem>>
      %dma_wait3A_720 = arith.constant 0 : i32
      %dma_wait3A_721 = arith.constant 0 : i32
      %dma_wait3A_722 = tpu.memref_slice %arg3[%dma_wait3A_720, %dma_wait3A_721] : memref<1000000x128xf32, #tpu.memory_space<hbm>> -> memref<1000000x128xf32, #tpu.memory_space<hbm>>
      tpu.wait_indirect_dma semaphore(%arg8 : memref<!tpu.dma_semaphore, #tpu.memory_space<semaphore_mem>>) src(%dma_wait3A_722 : memref<1000000x128xf32, #tpu.memory_space<hbm>>) dst(%dma_wait3A_716 : memref<128x128xf32, #tpu.memory_space<vmem>>)
      %mul3A_723 = arith.constant 128 : i32
      %mul3A_724 = arith.muli %add3A_684, %mul3A_723 : i32
      %add3A_725 = arith.addi %mul3A_2, %mul3A_724 : i32
      %dma_start3A_726 = arith.constant 0 : i32
      %dma_start3A_727 = arith.constant 0 : i32
      %dma_start3A_728 = arith.constant 0 : i32
      %dma_start3A_729 = tpu.memref_slice %arg6[%dma_start3A_726, %dma_start3A_727, %dma_start3A_728] : memref<6x128x128xf32, #tpu.memory_space<vmem>> -> memref<1x128x128xf32, #tpu.memory_space<vmem>>
      %dma_start3A_730 = tpu.memref_squeeze %dma_start3A_729 : memref<1x128x128xf32, #tpu.memory_space<vmem>> -> memref<128x128xf32, #tpu.memory_space<vmem>>
      %dma_start3A_731 = arith.constant 0 : i32
      %dma_start3A_732 = tpu.memref_slice %arg4[%add3A_725, %dma_start3A_731] : memref<819200x128xf32, #tpu.memory_space<hbm>> -> memref<128x128xf32, #tpu.memory_space<hbm>>
      %dma_start3A_733 = arith.constant 0 : i32
      %dma_start3A_734 = tpu.memref_slice %arg4[%add3A_725, %dma_start3A_733] : memref<819200x128xf32, #tpu.memory_space<hbm>> -> memref<128x128xf32, #tpu.memory_space<hbm>>
      %dma_start3A_735 = arith.constant 0 : i32
      %dma_start3A_736 = arith.constant 0 : i32
      %dma_start3A_737 = tpu.memref_slice %arg6[%dma_start3A_726, %dma_start3A_735, %dma_start3A_736] : memref<6x128x128xf32, #tpu.memory_space<vmem>> -> memref<1x128x128xf32, #tpu.memory_space<vmem>>
      %dma_start3A_738 = tpu.memref_squeeze %dma_start3A_737 : memref<1x128x128xf32, #tpu.memory_space<vmem>> -> memref<128x128xf32, #tpu.memory_space<vmem>>
      tpu.enqueue_dma source(%dma_start3A_738 : memref<128x128xf32, #tpu.memory_space<vmem>>) target(%dma_start3A_734 : memref<128x128xf32, #tpu.memory_space<hbm>>) target_semaphore(%arg9 : memref<!tpu.dma_semaphore, #tpu.memory_space<semaphore_mem>>)
      %mul3A_739 = arith.constant 6 : i32
      %mul3A_740 = arith.muli %scan3A_438, %mul3A_739 : i32
      %add3A_741 = arith.constant 2 : i32
      %add3A_742 = arith.addi %add3A_741, %mul3A_740 : i32
      %add3A_743 = arith.constant 5 : i32
      %add3A_744 = arith.addi %add3A_742, %add3A_743 : i32
      %dma_wait3A_745 = arith.constant 0 : i32
      %dma_wait3A_746 = arith.constant 0 : i32
      %dma_wait3A_747 = arith.constant 0 : i32
      %dma_wait3A_748 = tpu.memref_slice %arg6[%dma_wait3A_745, %dma_wait3A_746, %dma_wait3A_747] : memref<6x128x128xf32, #tpu.memory_space<vmem>> -> memref<1x128x128xf32, #tpu.memory_space<vmem>>
      %dma_wait3A_749 = tpu.memref_squeeze %dma_wait3A_748 : memref<1x128x128xf32, #tpu.memory_space<vmem>> -> memref<128x128xf32, #tpu.memory_space<vmem>>
      %dma_wait3A_750 = arith.constant 0 : i32
      %dma_wait3A_751 = tpu.memref_slice %arg4[%mul3A_2, %dma_wait3A_750] : memref<819200x128xf32, #tpu.memory_space<hbm>> -> memref<128x128xf32, #tpu.memory_space<hbm>>
      %dma_wait3A_752 = arith.constant 0 : i32
      %dma_wait3A_753 = tpu.memref_slice %arg4[%mul3A_2, %dma_wait3A_752] : memref<819200x128xf32, #tpu.memory_space<hbm>> -> memref<128x128xf32, #tpu.memory_space<hbm>>
      %dma_wait3A_754 = arith.constant 0 : i32
      %dma_wait3A_755 = arith.constant 0 : i32
      %dma_wait3A_756 = tpu.memref_slice %arg6[%dma_wait3A_745, %dma_wait3A_754, %dma_wait3A_755] : memref<6x128x128xf32, #tpu.memory_space<vmem>> -> memref<1x128x128xf32, #tpu.memory_space<vmem>>
      %dma_wait3A_757 = tpu.memref_squeeze %dma_wait3A_756 : memref<1x128x128xf32, #tpu.memory_space<vmem>> -> memref<128x128xf32, #tpu.memory_space<vmem>>
      tpu.wait_dma2 semaphore(%arg9 : memref<!tpu.dma_semaphore, #tpu.memory_space<semaphore_mem>>) src(%dma_wait3A_757 : memref<128x128xf32, #tpu.memory_space<vmem>>) dst(%dma_wait3A_753 : memref<128x128xf32, #tpu.memory_space<hbm>>)
      %add3A_758 = arith.constant 4 : i32
      %add3A_759 = arith.addi %add3A_744, %add3A_758 : i32
      %dma_start3A_760 = arith.constant 5 : i32
      %dma_start3A_761 = arith.constant 0 : i32
      %dma_start3A_762 = arith.constant 0 : i32
      %dma_start3A_763 = tpu.memref_slice %arg6[%dma_start3A_760, %dma_start3A_761, %dma_start3A_762] : memref<6x128x128xf32, #tpu.memory_space<vmem>> -> memref<1x128x128xf32, #tpu.memory_space<vmem>>
      %dma_start3A_764 = tpu.memref_squeeze %dma_start3A_763 : memref<1x128x128xf32, #tpu.memory_space<vmem>> -> memref<128x128xf32, #tpu.memory_space<vmem>>
      %dma_start3A_765 = arith.constant 0 : i32
      %dma_start3A_766 = tpu.memref_slice %arg5[%add3A_759, %dma_start3A_765] : memref<200x128xi32, #tpu.memory_space<vmem>> -> memref<1x128xi32, #tpu.memory_space<vmem>>
      %dma_start3A_767 = tpu.memref_squeeze %dma_start3A_766 : memref<1x128xi32, #tpu.memory_space<vmem>> -> memref<128xi32, #tpu.memory_space<vmem>>
      %dma_start3A_768 = arith.constant 0 : i32
      %dma_start3A_769 = arith.constant 0 : i32
      %dma_start3A_770 = tpu.memref_slice %arg3[%dma_start3A_768, %dma_start3A_769] : memref<1000000x128xf32, #tpu.memory_space<hbm>> -> memref<1000000x128xf32, #tpu.memory_space<hbm>>
      tpu.enqueue_indirect_dma source(%dma_start3A_770 : memref<1000000x128xf32, #tpu.memory_space<hbm>>) target(%dma_start3A_764 : memref<128x128xf32, #tpu.memory_space<vmem>>) offsets(%dma_start3A_767 : memref<128xi32, #tpu.memory_space<vmem>>) semaphore(%arg8 : memref<!tpu.dma_semaphore, #tpu.memory_space<semaphore_mem>>)
      %dma_wait3A_771 = arith.constant 0 : i32
      %dma_wait3A_772 = arith.constant 0 : i32
      %dma_wait3A_773 = arith.constant 0 : i32
      %dma_wait3A_774 = arith.constant 0 : i32
      %dma_wait3A_775 = tpu.memref_slice %arg6[%dma_wait3A_772, %dma_wait3A_773, %dma_wait3A_774] : memref<6x128x128xf32, #tpu.memory_space<vmem>> -> memref<1x128x128xf32, #tpu.memory_space<vmem>>
      %dma_wait3A_776 = tpu.memref_squeeze %dma_wait3A_775 : memref<1x128x128xf32, #tpu.memory_space<vmem>> -> memref<128x128xf32, #tpu.memory_space<vmem>>
      %dma_wait3A_777 = arith.constant 0 : i32
      %dma_wait3A_778 = tpu.memref_slice %arg5[%dma_wait3A_771, %dma_wait3A_777] : memref<200x128xi32, #tpu.memory_space<vmem>> -> memref<1x128xi32, #tpu.memory_space<vmem>>
      %dma_wait3A_779 = tpu.memref_squeeze %dma_wait3A_778 : memref<1x128xi32, #tpu.memory_space<vmem>> -> memref<128xi32, #tpu.memory_space<vmem>>
      %dma_wait3A_780 = arith.constant 0 : i32
      %dma_wait3A_781 = arith.constant 0 : i32
      %dma_wait3A_782 = tpu.memref_slice %arg3[%dma_wait3A_780, %dma_wait3A_781] : memref<1000000x128xf32, #tpu.memory_space<hbm>> -> memref<1000000x128xf32, #tpu.memory_space<hbm>>
      tpu.wait_indirect_dma semaphore(%arg8 : memref<!tpu.dma_semaphore, #tpu.memory_space<semaphore_mem>>) src(%dma_wait3A_782 : memref<1000000x128xf32, #tpu.memory_space<hbm>>) dst(%dma_wait3A_776 : memref<128x128xf32, #tpu.memory_space<vmem>>)
      %mul3A_783 = arith.constant 128 : i32
      %mul3A_784 = arith.muli %add3A_744, %mul3A_783 : i32
      %add3A_785 = arith.addi %mul3A_2, %mul3A_784 : i32
      %dma_start3A_786 = arith.constant 1 : i32
      %dma_start3A_787 = arith.constant 0 : i32
      %dma_start3A_788 = arith.constant 0 : i32
      %dma_start3A_789 = tpu.memref_slice %arg6[%dma_start3A_786, %dma_start3A_787, %dma_start3A_788] : memref<6x128x128xf32, #tpu.memory_space<vmem>> -> memref<1x128x128xf32, #tpu.memory_space<vmem>>
      %dma_start3A_790 = tpu.memref_squeeze %dma_start3A_789 : memref<1x128x128xf32, #tpu.memory_space<vmem>> -> memref<128x128xf32, #tpu.memory_space<vmem>>
      %dma_start3A_791 = arith.constant 0 : i32
      %dma_start3A_792 = tpu.memref_slice %arg4[%add3A_785, %dma_start3A_791] : memref<819200x128xf32, #tpu.memory_space<hbm>> -> memref<128x128xf32, #tpu.memory_space<hbm>>
      %dma_start3A_793 = arith.constant 0 : i32
      %dma_start3A_794 = tpu.memref_slice %arg4[%add3A_785, %dma_start3A_793] : memref<819200x128xf32, #tpu.memory_space<hbm>> -> memref<128x128xf32, #tpu.memory_space<hbm>>
      %dma_start3A_795 = arith.constant 0 : i32
      %dma_start3A_796 = arith.constant 0 : i32
      %dma_start3A_797 = tpu.memref_slice %arg6[%dma_start3A_786, %dma_start3A_795, %dma_start3A_796] : memref<6x128x128xf32, #tpu.memory_space<vmem>> -> memref<1x128x128xf32, #tpu.memory_space<vmem>>
      %dma_start3A_798 = tpu.memref_squeeze %dma_start3A_797 : memref<1x128x128xf32, #tpu.memory_space<vmem>> -> memref<128x128xf32, #tpu.memory_space<vmem>>
      tpu.enqueue_dma source(%dma_start3A_798 : memref<128x128xf32, #tpu.memory_space<vmem>>) target(%dma_start3A_794 : memref<128x128xf32, #tpu.memory_space<hbm>>) target_semaphore(%arg9 : memref<!tpu.dma_semaphore, #tpu.memory_space<semaphore_mem>>)
    }
    %scan3A_147 = arith.constant 32 : i32
    %dma_wait3A_148 = arith.constant 0 : i32
    %dma_wait3A_149 = arith.constant 0 : i32
    %dma_wait3A_150 = arith.constant 0 : i32
    %dma_wait3A_151 = tpu.memref_slice %arg6[%dma_wait3A_148, %dma_wait3A_149, %dma_wait3A_150] : memref<6x128x128xf32, #tpu.memory_space<vmem>> -> memref<1x128x128xf32, #tpu.memory_space<vmem>>
    %dma_wait3A_152 = tpu.memref_squeeze %dma_wait3A_151 : memref<1x128x128xf32, #tpu.memory_space<vmem>> -> memref<128x128xf32, #tpu.memory_space<vmem>>
    %dma_wait3A_153 = arith.constant 0 : i32
    %dma_wait3A_154 = tpu.memref_slice %arg4[%mul3A_2, %dma_wait3A_153] : memref<819200x128xf32, #tpu.memory_space<hbm>> -> memref<128x128xf32, #tpu.memory_space<hbm>>
    %dma_wait3A_155 = arith.constant 0 : i32
    %dma_wait3A_156 = tpu.memref_slice %arg4[%mul3A_2, %dma_wait3A_155] : memref<819200x128xf32, #tpu.memory_space<hbm>> -> memref<128x128xf32, #tpu.memory_space<hbm>>
    %dma_wait3A_157 = arith.constant 0 : i32
    %dma_wait3A_158 = arith.constant 0 : i32
    %dma_wait3A_159 = tpu.memref_slice %arg6[%dma_wait3A_148, %dma_wait3A_157, %dma_wait3A_158] : memref<6x128x128xf32, #tpu.memory_space<vmem>> -> memref<1x128x128xf32, #tpu.memory_space<vmem>>
    %dma_wait3A_160 = tpu.memref_squeeze %dma_wait3A_159 : memref<1x128x128xf32, #tpu.memory_space<vmem>> -> memref<128x128xf32, #tpu.memory_space<vmem>>
    tpu.wait_dma2 semaphore(%arg9 : memref<!tpu.dma_semaphore, #tpu.memory_space<semaphore_mem>>) src(%dma_wait3A_160 : memref<128x128xf32, #tpu.memory_space<vmem>>) dst(%dma_wait3A_156 : memref<128x128xf32, #tpu.memory_space<hbm>>)
    %dma_start3A_161 = arith.constant 198 : i32
    %dma_start3A_162 = arith.constant 0 : i32
    %dma_start3A_163 = arith.constant 0 : i32
    %dma_start3A_164 = arith.constant 0 : i32
    %dma_start3A_165 = tpu.memref_slice %arg6[%dma_start3A_162, %dma_start3A_163, %dma_start3A_164] : memref<6x128x128xf32, #tpu.memory_space<vmem>> -> memref<1x128x128xf32, #tpu.memory_space<vmem>>
    %dma_start3A_166 = tpu.memref_squeeze %dma_start3A_165 : memref<1x128x128xf32, #tpu.memory_space<vmem>> -> memref<128x128xf32, #tpu.memory_space<vmem>>
    %dma_start3A_167 = arith.constant 0 : i32
    %dma_start3A_168 = tpu.memref_slice %arg5[%dma_start3A_161, %dma_start3A_167] : memref<200x128xi32, #tpu.memory_space<vmem>> -> memref<1x128xi32, #tpu.memory_space<vmem>>
    %dma_start3A_169 = tpu.memref_squeeze %dma_start3A_168 : memref<1x128xi32, #tpu.memory_space<vmem>> -> memref<128xi32, #tpu.memory_space<vmem>>
    %dma_start3A_170 = arith.constant 0 : i32
    %dma_start3A_171 = arith.constant 0 : i32
    %dma_start3A_172 = tpu.memref_slice %arg3[%dma_start3A_170, %dma_start3A_171] : memref<1000000x128xf32, #tpu.memory_space<hbm>> -> memref<1000000x128xf32, #tpu.memory_space<hbm>>
    tpu.enqueue_indirect_dma source(%dma_start3A_172 : memref<1000000x128xf32, #tpu.memory_space<hbm>>) target(%dma_start3A_166 : memref<128x128xf32, #tpu.memory_space<vmem>>) offsets(%dma_start3A_169 : memref<128xi32, #tpu.memory_space<vmem>>) semaphore(%arg8 : memref<!tpu.dma_semaphore, #tpu.memory_space<semaphore_mem>>)
    %dma_wait3A_173 = arith.constant 0 : i32
    %dma_wait3A_174 = arith.constant 0 : i32
    %dma_wait3A_175 = arith.constant 0 : i32
    %dma_wait3A_176 = arith.constant 0 : i32
    %dma_wait3A_177 = tpu.memref_slice %arg6[%dma_wait3A_174, %dma_wait3A_175, %dma_wait3A_176] : memref<6x128x128xf32, #tpu.memory_space<vmem>> -> memref<1x128x128xf32, #tpu.memory_space<vmem>>
    %dma_wait3A_178 = tpu.memref_squeeze %dma_wait3A_177 : memref<1x128x128xf32, #tpu.memory_space<vmem>> -> memref<128x128xf32, #tpu.memory_space<vmem>>
    %dma_wait3A_179 = arith.constant 0 : i32
    %dma_wait3A_180 = tpu.memref_slice %arg5[%dma_wait3A_173, %dma_wait3A_179] : memref<200x128xi32, #tpu.memory_space<vmem>> -> memref<1x128xi32, #tpu.memory_space<vmem>>
    %dma_wait3A_181 = tpu.memref_squeeze %dma_wait3A_180 : memref<1x128xi32, #tpu.memory_space<vmem>> -> memref<128xi32, #tpu.memory_space<vmem>>
    %dma_wait3A_182 = arith.constant 0 : i32
    %dma_wait3A_183 = arith.constant 0 : i32
    %dma_wait3A_184 = tpu.memref_slice %arg3[%dma_wait3A_182, %dma_wait3A_183] : memref<1000000x128xf32, #tpu.memory_space<hbm>> -> memref<1000000x128xf32, #tpu.memory_space<hbm>>
    tpu.wait_indirect_dma semaphore(%arg8 : memref<!tpu.dma_semaphore, #tpu.memory_space<semaphore_mem>>) src(%dma_wait3A_184 : memref<1000000x128xf32, #tpu.memory_space<hbm>>) dst(%dma_wait3A_178 : memref<128x128xf32, #tpu.memory_space<vmem>>)
    %add3A_185 = arith.constant 24832 : i32
    %add3A_186 = arith.addi %mul3A_2, %add3A_185 : i32
    %dma_start3A_187 = arith.constant 2 : i32
    %dma_start3A_188 = arith.constant 0 : i32
    %dma_start3A_189 = arith.constant 0 : i32
    %dma_start3A_190 = tpu.memref_slice %arg6[%dma_start3A_187, %dma_start3A_188, %dma_start3A_189] : memref<6x128x128xf32, #tpu.memory_space<vmem>> -> memref<1x128x128xf32, #tpu.memory_space<vmem>>
    %dma_start3A_191 = tpu.memref_squeeze %dma_start3A_190 : memref<1x128x128xf32, #tpu.memory_space<vmem>> -> memref<128x128xf32, #tpu.memory_space<vmem>>
    %dma_start3A_192 = arith.constant 0 : i32
    %dma_start3A_193 = tpu.memref_slice %arg4[%add3A_186, %dma_start3A_192] : memref<819200x128xf32, #tpu.memory_space<hbm>> -> memref<128x128xf32, #tpu.memory_space<hbm>>
    %dma_start3A_194 = arith.constant 0 : i32
    %dma_start3A_195 = tpu.memref_slice %arg4[%add3A_186, %dma_start3A_194] : memref<819200x128xf32, #tpu.memory_space<hbm>> -> memref<128x128xf32, #tpu.memory_space<hbm>>
    %dma_start3A_196 = arith.constant 0 : i32
    %dma_start3A_197 = arith.constant 0 : i32
    %dma_start3A_198 = tpu.memref_slice %arg6[%dma_start3A_187, %dma_start3A_196, %dma_start3A_197] : memref<6x128x128xf32, #tpu.memory_space<vmem>> -> memref<1x128x128xf32, #tpu.memory_space<vmem>>
    %dma_start3A_199 = tpu.memref_squeeze %dma_start3A_198 : memref<1x128x128xf32, #tpu.memory_space<vmem>> -> memref<128x128xf32, #tpu.memory_space<vmem>>
    tpu.enqueue_dma source(%dma_start3A_199 : memref<128x128xf32, #tpu.memory_space<vmem>>) target(%dma_start3A_195 : memref<128x128xf32, #tpu.memory_space<hbm>>) target_semaphore(%arg9 : memref<!tpu.dma_semaphore, #tpu.memory_space<semaphore_mem>>)
    %dma_wait3A_200 = arith.constant 0 : i32
    %dma_wait3A_201 = arith.constant 0 : i32
    %dma_wait3A_202 = arith.constant 0 : i32
    %dma_wait3A_203 = tpu.memref_slice %arg6[%dma_wait3A_200, %dma_wait3A_201, %dma_wait3A_202] : memref<6x128x128xf32, #tpu.memory_space<vmem>> -> memref<1x128x128xf32, #tpu.memory_space<vmem>>
    %dma_wait3A_204 = tpu.memref_squeeze %dma_wait3A_203 : memref<1x128x128xf32, #tpu.memory_space<vmem>> -> memref<128x128xf32, #tpu.memory_space<vmem>>
    %dma_wait3A_205 = arith.constant 0 : i32
    %dma_wait3A_206 = tpu.memref_slice %arg4[%mul3A_2, %dma_wait3A_205] : memref<819200x128xf32, #tpu.memory_space<hbm>> -> memref<128x128xf32, #tpu.memory_space<hbm>>
    %dma_wait3A_207 = arith.constant 0 : i32
    %dma_wait3A_208 = tpu.memref_slice %arg4[%mul3A_2, %dma_wait3A_207] : memref<819200x128xf32, #tpu.memory_space<hbm>> -> memref<128x128xf32, #tpu.memory_space<hbm>>
    %dma_wait3A_209 = arith.constant 0 : i32
    %dma_wait3A_210 = arith.constant 0 : i32
    %dma_wait3A_211 = tpu.memref_slice %arg6[%dma_wait3A_200, %dma_wait3A_209, %dma_wait3A_210] : memref<6x128x128xf32, #tpu.memory_space<vmem>> -> memref<1x128x128xf32, #tpu.memory_space<vmem>>
    %dma_wait3A_212 = tpu.memref_squeeze %dma_wait3A_211 : memref<1x128x128xf32, #tpu.memory_space<vmem>> -> memref<128x128xf32, #tpu.memory_space<vmem>>
    tpu.wait_dma2 semaphore(%arg9 : memref<!tpu.dma_semaphore, #tpu.memory_space<semaphore_mem>>) src(%dma_wait3A_212 : memref<128x128xf32, #tpu.memory_space<vmem>>) dst(%dma_wait3A_208 : memref<128x128xf32, #tpu.memory_space<hbm>>)
    %dma_start3A_213 = arith.constant 199 : i32
    %dma_start3A_214 = arith.constant 1 : i32
    %dma_start3A_215 = arith.constant 0 : i32
    %dma_start3A_216 = arith.constant 0 : i32
    %dma_start3A_217 = tpu.memref_slice %arg6[%dma_start3A_214, %dma_start3A_215, %dma_start3A_216] : memref<6x128x128xf32, #tpu.memory_space<vmem>> -> memref<1x128x128xf32, #tpu.memory_space<vmem>>
    %dma_start3A_218 = tpu.memref_squeeze %dma_start3A_217 : memref<1x128x128xf32, #tpu.memory_space<vmem>> -> memref<128x128xf32, #tpu.memory_space<vmem>>
    %dma_start3A_219 = arith.constant 0 : i32
    %dma_start3A_220 = tpu.memref_slice %arg5[%dma_start3A_213, %dma_start3A_219] : memref<200x128xi32, #tpu.memory_space<vmem>> -> memref<1x128xi32, #tpu.memory_space<vmem>>
    %dma_start3A_221 = tpu.memref_squeeze %dma_start3A_220 : memref<1x128xi32, #tpu.memory_space<vmem>> -> memref<128xi32, #tpu.memory_space<vmem>>
    %dma_start3A_222 = arith.constant 0 : i32
    %dma_start3A_223 = arith.constant 0 : i32
    %dma_start3A_224 = tpu.memref_slice %arg3[%dma_start3A_222, %dma_start3A_223] : memref<1000000x128xf32, #tpu.memory_space<hbm>> -> memref<1000000x128xf32, #tpu.memory_space<hbm>>
    tpu.enqueue_indirect_dma source(%dma_start3A_224 : memref<1000000x128xf32, #tpu.memory_space<hbm>>) target(%dma_start3A_218 : memref<128x128xf32, #tpu.memory_space<vmem>>) offsets(%dma_start3A_221 : memref<128xi32, #tpu.memory_space<vmem>>) semaphore(%arg8 : memref<!tpu.dma_semaphore, #tpu.memory_space<semaphore_mem>>)
    %dma_wait3A_225 = arith.constant 0 : i32
    %dma_wait3A_226 = arith.constant 0 : i32
    %dma_wait3A_227 = arith.constant 0 : i32
    %dma_wait3A_228 = arith.constant 0 : i32
    %dma_wait3A_229 = tpu.memref_slice %arg6[%dma_wait3A_226, %dma_wait3A_227, %dma_wait3A_228] : memref<6x128x128xf32, #tpu.memory_space<vmem>> -> memref<1x128x128xf32, #tpu.memory_space<vmem>>
    %dma_wait3A_230 = tpu.memref_squeeze %dma_wait3A_229 : memref<1x128x128xf32, #tpu.memory_space<vmem>> -> memref<128x128xf32, #tpu.memory_space<vmem>>
    %dma_wait3A_231 = arith.constant 0 : i32
    %dma_wait3A_232 = tpu.memref_slice %arg5[%dma_wait3A_225, %dma_wait3A_231] : memref<200x128xi32, #tpu.memory_space<vmem>> -> memref<1x128xi32, #tpu.memory_space<vmem>>
    %dma_wait3A_233 = tpu.memref_squeeze %dma_wait3A_232 : memref<1x128xi32, #tpu.memory_space<vmem>> -> memref<128xi32, #tpu.memory_space<vmem>>
    %dma_wait3A_234 = arith.constant 0 : i32
    %dma_wait3A_235 = arith.constant 0 : i32
    %dma_wait3A_236 = tpu.memref_slice %arg3[%dma_wait3A_234, %dma_wait3A_235] : memref<1000000x128xf32, #tpu.memory_space<hbm>> -> memref<1000000x128xf32, #tpu.memory_space<hbm>>
    tpu.wait_indirect_dma semaphore(%arg8 : memref<!tpu.dma_semaphore, #tpu.memory_space<semaphore_mem>>) src(%dma_wait3A_236 : memref<1000000x128xf32, #tpu.memory_space<hbm>>) dst(%dma_wait3A_230 : memref<128x128xf32, #tpu.memory_space<vmem>>)
    %add3A_237 = arith.constant 24960 : i32
    %add3A_238 = arith.addi %mul3A_2, %add3A_237 : i32
    %dma_start3A_239 = arith.constant 3 : i32
    %dma_start3A_240 = arith.constant 0 : i32
    %dma_start3A_241 = arith.constant 0 : i32
    %dma_start3A_242 = tpu.memref_slice %arg6[%dma_start3A_239, %dma_start3A_240, %dma_start3A_241] : memref<6x128x128xf32, #tpu.memory_space<vmem>> -> memref<1x128x128xf32, #tpu.memory_space<vmem>>
    %dma_start3A_243 = tpu.memref_squeeze %dma_start3A_242 : memref<1x128x128xf32, #tpu.memory_space<vmem>> -> memref<128x128xf32, #tpu.memory_space<vmem>>
    %dma_start3A_244 = arith.constant 0 : i32
    %dma_start3A_245 = tpu.memref_slice %arg4[%add3A_238, %dma_start3A_244] : memref<819200x128xf32, #tpu.memory_space<hbm>> -> memref<128x128xf32, #tpu.memory_space<hbm>>
    %dma_start3A_246 = arith.constant 0 : i32
    %dma_start3A_247 = tpu.memref_slice %arg4[%add3A_238, %dma_start3A_246] : memref<819200x128xf32, #tpu.memory_space<hbm>> -> memref<128x128xf32, #tpu.memory_space<hbm>>
    %dma_start3A_248 = arith.constant 0 : i32
    %dma_start3A_249 = arith.constant 0 : i32
    %dma_start3A_250 = tpu.memref_slice %arg6[%dma_start3A_239, %dma_start3A_248, %dma_start3A_249] : memref<6x128x128xf32, #tpu.memory_space<vmem>> -> memref<1x128x128xf32, #tpu.memory_space<vmem>>
    %dma_start3A_251 = tpu.memref_squeeze %dma_start3A_250 : memref<1x128x128xf32, #tpu.memory_space<vmem>> -> memref<128x128xf32, #tpu.memory_space<vmem>>
    tpu.enqueue_dma source(%dma_start3A_251 : memref<128x128xf32, #tpu.memory_space<vmem>>) target(%dma_start3A_247 : memref<128x128xf32, #tpu.memory_space<hbm>>) target_semaphore(%arg9 : memref<!tpu.dma_semaphore, #tpu.memory_space<semaphore_mem>>)
    %dma_wait3A_252 = arith.constant 0 : i32
    %dma_wait3A_253 = arith.constant 0 : i32
    %dma_wait3A_254 = arith.constant 0 : i32
    %dma_wait3A_255 = tpu.memref_slice %arg6[%dma_wait3A_252, %dma_wait3A_253, %dma_wait3A_254] : memref<6x128x128xf32, #tpu.memory_space<vmem>> -> memref<1x128x128xf32, #tpu.memory_space<vmem>>
    %dma_wait3A_256 = tpu.memref_squeeze %dma_wait3A_255 : memref<1x128x128xf32, #tpu.memory_space<vmem>> -> memref<128x128xf32, #tpu.memory_space<vmem>>
    %dma_wait3A_257 = arith.constant 0 : i32
    %dma_wait3A_258 = tpu.memref_slice %arg4[%mul3A_2, %dma_wait3A_257] : memref<819200x128xf32, #tpu.memory_space<hbm>> -> memref<128x128xf32, #tpu.memory_space<hbm>>
    %dma_wait3A_259 = arith.constant 0 : i32
    %dma_wait3A_260 = tpu.memref_slice %arg4[%mul3A_2, %dma_wait3A_259] : memref<819200x128xf32, #tpu.memory_space<hbm>> -> memref<128x128xf32, #tpu.memory_space<hbm>>
    %dma_wait3A_261 = arith.constant 0 : i32
    %dma_wait3A_262 = arith.constant 0 : i32
    %dma_wait3A_263 = tpu.memref_slice %arg6[%dma_wait3A_252, %dma_wait3A_261, %dma_wait3A_262] : memref<6x128x128xf32, #tpu.memory_space<vmem>> -> memref<1x128x128xf32, #tpu.memory_space<vmem>>
    %dma_wait3A_264 = tpu.memref_squeeze %dma_wait3A_263 : memref<1x128x128xf32, #tpu.memory_space<vmem>> -> memref<128x128xf32, #tpu.memory_space<vmem>>
    tpu.wait_dma2 semaphore(%arg9 : memref<!tpu.dma_semaphore, #tpu.memory_space<semaphore_mem>>) src(%dma_wait3A_264 : memref<128x128xf32, #tpu.memory_space<vmem>>) dst(%dma_wait3A_260 : memref<128x128xf32, #tpu.memory_space<hbm>>)
    %dma_wait3A_265 = arith.constant 0 : i32
    %dma_wait3A_266 = arith.constant 0 : i32
    %dma_wait3A_267 = arith.constant 0 : i32
    %dma_wait3A_268 = arith.constant 0 : i32
    %dma_wait3A_269 = tpu.memref_slice %arg6[%dma_wait3A_266, %dma_wait3A_267, %dma_wait3A_268] : memref<6x128x128xf32, #tpu.memory_space<vmem>> -> memref<1x128x128xf32, #tpu.memory_space<vmem>>
    %dma_wait3A_270 = tpu.memref_squeeze %dma_wait3A_269 : memref<1x128x128xf32, #tpu.memory_space<vmem>> -> memref<128x128xf32, #tpu.memory_space<vmem>>
    %dma_wait3A_271 = arith.constant 0 : i32
    %dma_wait3A_272 = tpu.memref_slice %arg5[%dma_wait3A_265, %dma_wait3A_271] : memref<200x128xi32, #tpu.memory_space<vmem>> -> memref<1x128xi32, #tpu.memory_space<vmem>>
    %dma_wait3A_273 = tpu.memref_squeeze %dma_wait3A_272 : memref<1x128xi32, #tpu.memory_space<vmem>> -> memref<128xi32, #tpu.memory_space<vmem>>
    %dma_wait3A_274 = arith.constant 0 : i32
    %dma_wait3A_275 = arith.constant 0 : i32
    %dma_wait3A_276 = tpu.memref_slice %arg3[%dma_wait3A_274, %dma_wait3A_275] : memref<1000000x128xf32, #tpu.memory_space<hbm>> -> memref<1000000x128xf32, #tpu.memory_space<hbm>>
    tpu.wait_indirect_dma semaphore(%arg8 : memref<!tpu.dma_semaphore, #tpu.memory_space<semaphore_mem>>) src(%dma_wait3A_276 : memref<1000000x128xf32, #tpu.memory_space<hbm>>) dst(%dma_wait3A_270 : memref<128x128xf32, #tpu.memory_space<vmem>>)
    %add3A_277 = arith.constant 25088 : i32
    %add3A_278 = arith.addi %mul3A_2, %add3A_277 : i32
    %dma_start3A_279 = arith.constant 4 : i32
    %dma_start3A_280 = arith.constant 0 : i32
    %dma_start3A_281 = arith.constant 0 : i32
    %dma_start3A_282 = tpu.memref_slice %arg6[%dma_start3A_279, %dma_start3A_280, %dma_start3A_281] : memref<6x128x128xf32, #tpu.memory_space<vmem>> -> memref<1x128x128xf32, #tpu.memory_space<vmem>>
    %dma_start3A_283 = tpu.memref_squeeze %dma_start3A_282 : memref<1x128x128xf32, #tpu.memory_space<vmem>> -> memref<128x128xf32, #tpu.memory_space<vmem>>
    %dma_start3A_284 = arith.constant 0 : i32
    %dma_start3A_285 = tpu.memref_slice %arg4[%add3A_278, %dma_start3A_284] : memref<819200x128xf32, #tpu.memory_space<hbm>> -> memref<128x128xf32, #tpu.memory_space<hbm>>
    %dma_start3A_286 = arith.constant 0 : i32
    %dma_start3A_287 = tpu.memref_slice %arg4[%add3A_278, %dma_start3A_286] : memref<819200x128xf32, #tpu.memory_space<hbm>> -> memref<128x128xf32, #tpu.memory_space<hbm>>
    %dma_start3A_288 = arith.constant 0 : i32
    %dma_start3A_289 = arith.constant 0 : i32
    %dma_start3A_290 = tpu.memref_slice %arg6[%dma_start3A_279, %dma_start3A_288, %dma_start3A_289] : memref<6x128x128xf32, #tpu.memory_space<vmem>> -> memref<1x128x128xf32, #tpu.memory_space<vmem>>
    %dma_start3A_291 = tpu.memref_squeeze %dma_start3A_290 : memref<1x128x128xf32, #tpu.memory_space<vmem>> -> memref<128x128xf32, #tpu.memory_space<vmem>>
    tpu.enqueue_dma source(%dma_start3A_291 : memref<128x128xf32, #tpu.memory_space<vmem>>) target(%dma_start3A_287 : memref<128x128xf32, #tpu.memory_space<hbm>>) target_semaphore(%arg9 : memref<!tpu.dma_semaphore, #tpu.memory_space<semaphore_mem>>)
    %dma_wait3A_292 = arith.constant 0 : i32
    %dma_wait3A_293 = arith.constant 0 : i32
    %dma_wait3A_294 = arith.constant 0 : i32
    %dma_wait3A_295 = tpu.memref_slice %arg6[%dma_wait3A_292, %dma_wait3A_293, %dma_wait3A_294] : memref<6x128x128xf32, #tpu.memory_space<vmem>> -> memref<1x128x128xf32, #tpu.memory_space<vmem>>
    %dma_wait3A_296 = tpu.memref_squeeze %dma_wait3A_295 : memref<1x128x128xf32, #tpu.memory_space<vmem>> -> memref<128x128xf32, #tpu.memory_space<vmem>>
    %dma_wait3A_297 = arith.constant 0 : i32
    %dma_wait3A_298 = tpu.memref_slice %arg4[%mul3A_2, %dma_wait3A_297] : memref<819200x128xf32, #tpu.memory_space<hbm>> -> memref<128x128xf32, #tpu.memory_space<hbm>>
    %dma_wait3A_299 = arith.constant 0 : i32
    %dma_wait3A_300 = tpu.memref_slice %arg4[%mul3A_2, %dma_wait3A_299] : memref<819200x128xf32, #tpu.memory_space<hbm>> -> memref<128x128xf32, #tpu.memory_space<hbm>>
    %dma_wait3A_301 = arith.constant 0 : i32
    %dma_wait3A_302 = arith.constant 0 : i32
    %dma_wait3A_303 = tpu.memref_slice %arg6[%dma_wait3A_292, %dma_wait3A_301, %dma_wait3A_302] : memref<6x128x128xf32, #tpu.memory_space<vmem>> -> memref<1x128x128xf32, #tpu.memory_space<vmem>>
    %dma_wait3A_304 = tpu.memref_squeeze %dma_wait3A_303 : memref<1x128x128xf32, #tpu.memory_space<vmem>> -> memref<128x128xf32, #tpu.memory_space<vmem>>
    tpu.wait_dma2 semaphore(%arg9 : memref<!tpu.dma_semaphore, #tpu.memory_space<semaphore_mem>>) src(%dma_wait3A_304 : memref<128x128xf32, #tpu.memory_space<vmem>>) dst(%dma_wait3A_300 : memref<128x128xf32, #tpu.memory_space<hbm>>)
    %dma_wait3A_305 = arith.constant 0 : i32
    %dma_wait3A_306 = arith.constant 0 : i32
    %dma_wait3A_307 = arith.constant 0 : i32
    %dma_wait3A_308 = arith.constant 0 : i32
    %dma_wait3A_309 = tpu.memref_slice %arg6[%dma_wait3A_306, %dma_wait3A_307, %dma_wait3A_308] : memref<6x128x128xf32, #tpu.memory_space<vmem>> -> memref<1x128x128xf32, #tpu.memory_space<vmem>>
    %dma_wait3A_310 = tpu.memref_squeeze %dma_wait3A_309 : memref<1x128x128xf32, #tpu.memory_space<vmem>> -> memref<128x128xf32, #tpu.memory_space<vmem>>
    %dma_wait3A_311 = arith.constant 0 : i32
    %dma_wait3A_312 = tpu.memref_slice %arg5[%dma_wait3A_305, %dma_wait3A_311] : memref<200x128xi32, #tpu.memory_space<vmem>> -> memref<1x128xi32, #tpu.memory_space<vmem>>
    %dma_wait3A_313 = tpu.memref_squeeze %dma_wait3A_312 : memref<1x128xi32, #tpu.memory_space<vmem>> -> memref<128xi32, #tpu.memory_space<vmem>>
    %dma_wait3A_314 = arith.constant 0 : i32
    %dma_wait3A_315 = arith.constant 0 : i32
    %dma_wait3A_316 = tpu.memref_slice %arg3[%dma_wait3A_314, %dma_wait3A_315] : memref<1000000x128xf32, #tpu.memory_space<hbm>> -> memref<1000000x128xf32, #tpu.memory_space<hbm>>
    tpu.wait_indirect_dma semaphore(%arg8 : memref<!tpu.dma_semaphore, #tpu.memory_space<semaphore_mem>>) src(%dma_wait3A_316 : memref<1000000x128xf32, #tpu.memory_space<hbm>>) dst(%dma_wait3A_310 : memref<128x128xf32, #tpu.memory_space<vmem>>)
    %add3A_317 = arith.constant 25216 : i32
    %add3A_318 = arith.addi %mul3A_2, %add3A_317 : i32
    %dma_start3A_319 = arith.constant 5 : i32
    %dma_start3A_320 = arith.constant 0 : i32
    %dma_start3A_321 = arith.constant 0 : i32
    %dma_start3A_322 = tpu.memref_slice %arg6[%dma_start3A_319, %dma_start3A_320, %dma_start3A_321] : memref<6x128x128xf32, #tpu.memory_space<vmem>> -> memref<1x128x128xf32, #tpu.memory_space<vmem>>
    %dma_start3A_323 = tpu.memref_squeeze %dma_start3A_322 : memref<1x128x128xf32, #tpu.memory_space<vmem>> -> memref<128x128xf32, #tpu.memory_space<vmem>>
    %dma_start3A_324 = arith.constant 0 : i32
    %dma_start3A_325 = tpu.memref_slice %arg4[%add3A_318, %dma_start3A_324] : memref<819200x128xf32, #tpu.memory_space<hbm>> -> memref<128x128xf32, #tpu.memory_space<hbm>>
    %dma_start3A_326 = arith.constant 0 : i32
    %dma_start3A_327 = tpu.memref_slice %arg4[%add3A_318, %dma_start3A_326] : memref<819200x128xf32, #tpu.memory_space<hbm>> -> memref<128x128xf32, #tpu.memory_space<hbm>>
    %dma_start3A_328 = arith.constant 0 : i32
    %dma_start3A_329 = arith.constant 0 : i32
    %dma_start3A_330 = tpu.memref_slice %arg6[%dma_start3A_319, %dma_start3A_328, %dma_start3A_329] : memref<6x128x128xf32, #tpu.memory_space<vmem>> -> memref<1x128x128xf32, #tpu.memory_space<vmem>>
    %dma_start3A_331 = tpu.memref_squeeze %dma_start3A_330 : memref<1x128x128xf32, #tpu.memory_space<vmem>> -> memref<128x128xf32, #tpu.memory_space<vmem>>
    tpu.enqueue_dma source(%dma_start3A_331 : memref<128x128xf32, #tpu.memory_space<vmem>>) target(%dma_start3A_327 : memref<128x128xf32, #tpu.memory_space<hbm>>) target_semaphore(%arg9 : memref<!tpu.dma_semaphore, #tpu.memory_space<semaphore_mem>>)
    %dma_wait3A_332 = arith.constant 0 : i32
    %dma_wait3A_333 = arith.constant 0 : i32
    %dma_wait3A_334 = arith.constant 0 : i32
    %dma_wait3A_335 = tpu.memref_slice %arg6[%dma_wait3A_332, %dma_wait3A_333, %dma_wait3A_334] : memref<6x128x128xf32, #tpu.memory_space<vmem>> -> memref<1x128x128xf32, #tpu.memory_space<vmem>>
    %dma_wait3A_336 = tpu.memref_squeeze %dma_wait3A_335 : memref<1x128x128xf32, #tpu.memory_space<vmem>> -> memref<128x128xf32, #tpu.memory_space<vmem>>
    %dma_wait3A_337 = arith.constant 0 : i32
    %dma_wait3A_338 = tpu.memref_slice %arg4[%mul3A_2, %dma_wait3A_337] : memref<819200x128xf32, #tpu.memory_space<hbm>> -> memref<128x128xf32, #tpu.memory_space<hbm>>
    %dma_wait3A_339 = arith.constant 0 : i32
    %dma_wait3A_340 = tpu.memref_slice %arg4[%mul3A_2, %dma_wait3A_339] : memref<819200x128xf32, #tpu.memory_space<hbm>> -> memref<128x128xf32, #tpu.memory_space<hbm>>
    %dma_wait3A_341 = arith.constant 0 : i32
    %dma_wait3A_342 = arith.constant 0 : i32
    %dma_wait3A_343 = tpu.memref_slice %arg6[%dma_wait3A_332, %dma_wait3A_341, %dma_wait3A_342] : memref<6x128x128xf32, #tpu.memory_space<vmem>> -> memref<1x128x128xf32, #tpu.memory_space<vmem>>
    %dma_wait3A_344 = tpu.memref_squeeze %dma_wait3A_343 : memref<1x128x128xf32, #tpu.memory_space<vmem>> -> memref<128x128xf32, #tpu.memory_space<vmem>>
    tpu.wait_dma2 semaphore(%arg9 : memref<!tpu.dma_semaphore, #tpu.memory_space<semaphore_mem>>) src(%dma_wait3A_344 : memref<128x128xf32, #tpu.memory_space<vmem>>) dst(%dma_wait3A_340 : memref<128x128xf32, #tpu.memory_space<hbm>>)
    %dma_wait3A_345 = arith.constant 0 : i32
    %dma_wait3A_346 = arith.constant 0 : i32
    %dma_wait3A_347 = arith.constant 0 : i32
    %dma_wait3A_348 = arith.constant 0 : i32
    %dma_wait3A_349 = tpu.memref_slice %arg6[%dma_wait3A_346, %dma_wait3A_347, %dma_wait3A_348] : memref<6x128x128xf32, #tpu.memory_space<vmem>> -> memref<1x128x128xf32, #tpu.memory_space<vmem>>
    %dma_wait3A_350 = tpu.memref_squeeze %dma_wait3A_349 : memref<1x128x128xf32, #tpu.memory_space<vmem>> -> memref<128x128xf32, #tpu.memory_space<vmem>>
    %dma_wait3A_351 = arith.constant 0 : i32
    %dma_wait3A_352 = tpu.memref_slice %arg5[%dma_wait3A_345, %dma_wait3A_351] : memref<200x128xi32, #tpu.memory_space<vmem>> -> memref<1x128xi32, #tpu.memory_space<vmem>>
    %dma_wait3A_353 = tpu.memref_squeeze %dma_wait3A_352 : memref<1x128xi32, #tpu.memory_space<vmem>> -> memref<128xi32, #tpu.memory_space<vmem>>
    %dma_wait3A_354 = arith.constant 0 : i32
    %dma_wait3A_355 = arith.constant 0 : i32
    %dma_wait3A_356 = tpu.memref_slice %arg3[%dma_wait3A_354, %dma_wait3A_355] : memref<1000000x128xf32, #tpu.memory_space<hbm>> -> memref<1000000x128xf32, #tpu.memory_space<hbm>>
    tpu.wait_indirect_dma semaphore(%arg8 : memref<!tpu.dma_semaphore, #tpu.memory_space<semaphore_mem>>) src(%dma_wait3A_356 : memref<1000000x128xf32, #tpu.memory_space<hbm>>) dst(%dma_wait3A_350 : memref<128x128xf32, #tpu.memory_space<vmem>>)
    %add3A_357 = arith.constant 25344 : i32
    %add3A_358 = arith.addi %mul3A_2, %add3A_357 : i32
    %dma_start3A_359 = arith.constant 0 : i32
    %dma_start3A_360 = arith.constant 0 : i32
    %dma_start3A_361 = arith.constant 0 : i32
    %dma_start3A_362 = tpu.memref_slice %arg6[%dma_start3A_359, %dma_start3A_360, %dma_start3A_361] : memref<6x128x128xf32, #tpu.memory_space<vmem>> -> memref<1x128x128xf32, #tpu.memory_space<vmem>>
    %dma_start3A_363 = tpu.memref_squeeze %dma_start3A_362 : memref<1x128x128xf32, #tpu.memory_space<vmem>> -> memref<128x128xf32, #tpu.memory_space<vmem>>
    %dma_start3A_364 = arith.constant 0 : i32
    %dma_start3A_365 = tpu.memref_slice %arg4[%add3A_358, %dma_start3A_364] : memref<819200x128xf32, #tpu.memory_space<hbm>> -> memref<128x128xf32, #tpu.memory_space<hbm>>
    %dma_start3A_366 = arith.constant 0 : i32
    %dma_start3A_367 = tpu.memref_slice %arg4[%add3A_358, %dma_start3A_366] : memref<819200x128xf32, #tpu.memory_space<hbm>> -> memref<128x128xf32, #tpu.memory_space<hbm>>
    %dma_start3A_368 = arith.constant 0 : i32
    %dma_start3A_369 = arith.constant 0 : i32
    %dma_start3A_370 = tpu.memref_slice %arg6[%dma_start3A_359, %dma_start3A_368, %dma_start3A_369] : memref<6x128x128xf32, #tpu.memory_space<vmem>> -> memref<1x128x128xf32, #tpu.memory_space<vmem>>
    %dma_start3A_371 = tpu.memref_squeeze %dma_start3A_370 : memref<1x128x128xf32, #tpu.memory_space<vmem>> -> memref<128x128xf32, #tpu.memory_space<vmem>>
    tpu.enqueue_dma source(%dma_start3A_371 : memref<128x128xf32, #tpu.memory_space<vmem>>) target(%dma_start3A_367 : memref<128x128xf32, #tpu.memory_space<hbm>>) target_semaphore(%arg9 : memref<!tpu.dma_semaphore, #tpu.memory_space<semaphore_mem>>)
    %dma_wait3A_372 = arith.constant 0 : i32
    %dma_wait3A_373 = arith.constant 0 : i32
    %dma_wait3A_374 = arith.constant 0 : i32
    %dma_wait3A_375 = tpu.memref_slice %arg6[%dma_wait3A_372, %dma_wait3A_373, %dma_wait3A_374] : memref<6x128x128xf32, #tpu.memory_space<vmem>> -> memref<1x128x128xf32, #tpu.memory_space<vmem>>
    %dma_wait3A_376 = tpu.memref_squeeze %dma_wait3A_375 : memref<1x128x128xf32, #tpu.memory_space<vmem>> -> memref<128x128xf32, #tpu.memory_space<vmem>>
    %dma_wait3A_377 = arith.constant 0 : i32
    %dma_wait3A_378 = tpu.memref_slice %arg4[%mul3A_2, %dma_wait3A_377] : memref<819200x128xf32, #tpu.memory_space<hbm>> -> memref<128x128xf32, #tpu.memory_space<hbm>>
    %dma_wait3A_379 = arith.constant 0 : i32
    %dma_wait3A_380 = tpu.memref_slice %arg4[%mul3A_2, %dma_wait3A_379] : memref<819200x128xf32, #tpu.memory_space<hbm>> -> memref<128x128xf32, #tpu.memory_space<hbm>>
    %dma_wait3A_381 = arith.constant 0 : i32
    %dma_wait3A_382 = arith.constant 0 : i32
    %dma_wait3A_383 = tpu.memref_slice %arg6[%dma_wait3A_372, %dma_wait3A_381, %dma_wait3A_382] : memref<6x128x128xf32, #tpu.memory_space<vmem>> -> memref<1x128x128xf32, #tpu.memory_space<vmem>>
    %dma_wait3A_384 = tpu.memref_squeeze %dma_wait3A_383 : memref<1x128x128xf32, #tpu.memory_space<vmem>> -> memref<128x128xf32, #tpu.memory_space<vmem>>
    tpu.wait_dma2 semaphore(%arg9 : memref<!tpu.dma_semaphore, #tpu.memory_space<semaphore_mem>>) src(%dma_wait3A_384 : memref<128x128xf32, #tpu.memory_space<vmem>>) dst(%dma_wait3A_380 : memref<128x128xf32, #tpu.memory_space<hbm>>)
    %dma_wait3A_385 = arith.constant 0 : i32
    %dma_wait3A_386 = arith.constant 0 : i32
    %dma_wait3A_387 = arith.constant 0 : i32
    %dma_wait3A_388 = arith.constant 0 : i32
    %dma_wait3A_389 = tpu.memref_slice %arg6[%dma_wait3A_386, %dma_wait3A_387, %dma_wait3A_388] : memref<6x128x128xf32, #tpu.memory_space<vmem>> -> memref<1x128x128xf32, #tpu.memory_space<vmem>>
    %dma_wait3A_390 = tpu.memref_squeeze %dma_wait3A_389 : memref<1x128x128xf32, #tpu.memory_space<vmem>> -> memref<128x128xf32, #tpu.memory_space<vmem>>
    %dma_wait3A_391 = arith.constant 0 : i32
    %dma_wait3A_392 = tpu.memref_slice %arg5[%dma_wait3A_385, %dma_wait3A_391] : memref<200x128xi32, #tpu.memory_space<vmem>> -> memref<1x128xi32, #tpu.memory_space<vmem>>
    %dma_wait3A_393 = tpu.memref_squeeze %dma_wait3A_392 : memref<1x128xi32, #tpu.memory_space<vmem>> -> memref<128xi32, #tpu.memory_space<vmem>>
    %dma_wait3A_394 = arith.constant 0 : i32
    %dma_wait3A_395 = arith.constant 0 : i32
    %dma_wait3A_396 = tpu.memref_slice %arg3[%dma_wait3A_394, %dma_wait3A_395] : memref<1000000x128xf32, #tpu.memory_space<hbm>> -> memref<1000000x128xf32, #tpu.memory_space<hbm>>
    tpu.wait_indirect_dma semaphore(%arg8 : memref<!tpu.dma_semaphore, #tpu.memory_space<semaphore_mem>>) src(%dma_wait3A_396 : memref<1000000x128xf32, #tpu.memory_space<hbm>>) dst(%dma_wait3A_390 : memref<128x128xf32, #tpu.memory_space<vmem>>)
    %add3A_397 = arith.constant 25472 : i32
    %add3A_398 = arith.addi %mul3A_2, %add3A_397 : i32
    %dma_start3A_399 = arith.constant 1 : i32
    %dma_start3A_400 = arith.constant 0 : i32
    %dma_start3A_401 = arith.constant 0 : i32
    %dma_start3A_402 = tpu.memref_slice %arg6[%dma_start3A_399, %dma_start3A_400, %dma_start3A_401] : memref<6x128x128xf32, #tpu.memory_space<vmem>> -> memref<1x128x128xf32, #tpu.memory_space<vmem>>
    %dma_start3A_403 = tpu.memref_squeeze %dma_start3A_402 : memref<1x128x128xf32, #tpu.memory_space<vmem>> -> memref<128x128xf32, #tpu.memory_space<vmem>>
    %dma_start3A_404 = arith.constant 0 : i32
    %dma_start3A_405 = tpu.memref_slice %arg4[%add3A_398, %dma_start3A_404] : memref<819200x128xf32, #tpu.memory_space<hbm>> -> memref<128x128xf32, #tpu.memory_space<hbm>>
    %dma_start3A_406 = arith.constant 0 : i32
    %dma_start3A_407 = tpu.memref_slice %arg4[%add3A_398, %dma_start3A_406] : memref<819200x128xf32, #tpu.memory_space<hbm>> -> memref<128x128xf32, #tpu.memory_space<hbm>>
    %dma_start3A_408 = arith.constant 0 : i32
    %dma_start3A_409 = arith.constant 0 : i32
    %dma_start3A_410 = tpu.memref_slice %arg6[%dma_start3A_399, %dma_start3A_408, %dma_start3A_409] : memref<6x128x128xf32, #tpu.memory_space<vmem>> -> memref<1x128x128xf32, #tpu.memory_space<vmem>>
    %dma_start3A_411 = tpu.memref_squeeze %dma_start3A_410 : memref<1x128x128xf32, #tpu.memory_space<vmem>> -> memref<128x128xf32, #tpu.memory_space<vmem>>
    tpu.enqueue_dma source(%dma_start3A_411 : memref<128x128xf32, #tpu.memory_space<vmem>>) target(%dma_start3A_407 : memref<128x128xf32, #tpu.memory_space<hbm>>) target_semaphore(%arg9 : memref<!tpu.dma_semaphore, #tpu.memory_space<semaphore_mem>>)
    %dma_wait3A_412 = arith.constant 0 : i32
    %dma_wait3A_413 = arith.constant 0 : i32
    %dma_wait3A_414 = arith.constant 0 : i32
    %dma_wait3A_415 = tpu.memref_slice %arg6[%dma_wait3A_412, %dma_wait3A_413, %dma_wait3A_414] : memref<6x128x128xf32, #tpu.memory_space<vmem>> -> memref<1x128x128xf32, #tpu.memory_space<vmem>>
    %dma_wait3A_416 = tpu.memref_squeeze %dma_wait3A_415 : memref<1x128x128xf32, #tpu.memory_space<vmem>> -> memref<128x128xf32, #tpu.memory_space<vmem>>
    %dma_wait3A_417 = arith.constant 0 : i32
    %dma_wait3A_418 = tpu.memref_slice %arg4[%mul3A_2, %dma_wait3A_417] : memref<819200x128xf32, #tpu.memory_space<hbm>> -> memref<128x128xf32, #tpu.memory_space<hbm>>
    %dma_wait3A_419 = arith.constant 0 : i32
    %dma_wait3A_420 = tpu.memref_slice %arg4[%mul3A_2, %dma_wait3A_419] : memref<819200x128xf32, #tpu.memory_space<hbm>> -> memref<128x128xf32, #tpu.memory_space<hbm>>
    %dma_wait3A_421 = arith.constant 0 : i32
    %dma_wait3A_422 = arith.constant 0 : i32
    %dma_wait3A_423 = tpu.memref_slice %arg6[%dma_wait3A_412, %dma_wait3A_421, %dma_wait3A_422] : memref<6x128x128xf32, #tpu.memory_space<vmem>> -> memref<1x128x128xf32, #tpu.memory_space<vmem>>
    %dma_wait3A_424 = tpu.memref_squeeze %dma_wait3A_423 : memref<1x128x128xf32, #tpu.memory_space<vmem>> -> memref<128x128xf32, #tpu.memory_space<vmem>>
    tpu.wait_dma2 semaphore(%arg9 : memref<!tpu.dma_semaphore, #tpu.memory_space<semaphore_mem>>) src(%dma_wait3A_424 : memref<128x128xf32, #tpu.memory_space<vmem>>) dst(%dma_wait3A_420 : memref<128x128xf32, #tpu.memory_space<hbm>>)
    %dma_wait3A_425 = arith.constant 0 : i32
    %dma_wait3A_426 = arith.constant 0 : i32
    %dma_wait3A_427 = arith.constant 0 : i32
    %dma_wait3A_428 = tpu.memref_slice %arg6[%dma_wait3A_425, %dma_wait3A_426, %dma_wait3A_427] : memref<6x128x128xf32, #tpu.memory_space<vmem>> -> memref<1x128x128xf32, #tpu.memory_space<vmem>>
    %dma_wait3A_429 = tpu.memref_squeeze %dma_wait3A_428 : memref<1x128x128xf32, #tpu.memory_space<vmem>> -> memref<128x128xf32, #tpu.memory_space<vmem>>
    %dma_wait3A_430 = arith.constant 0 : i32
    %dma_wait3A_431 = tpu.memref_slice %arg4[%mul3A_2, %dma_wait3A_430] : memref<819200x128xf32, #tpu.memory_space<hbm>> -> memref<128x128xf32, #tpu.memory_space<hbm>>
    %dma_wait3A_432 = arith.constant 0 : i32
    %dma_wait3A_433 = tpu.memref_slice %arg4[%mul3A_2, %dma_wait3A_432] : memref<819200x128xf32, #tpu.memory_space<hbm>> -> memref<128x128xf32, #tpu.memory_space<hbm>>
    %dma_wait3A_434 = arith.constant 0 : i32
    %dma_wait3A_435 = arith.constant 0 : i32
    %dma_wait3A_436 = tpu.memref_slice %arg6[%dma_wait3A_425, %dma_wait3A_434, %dma_wait3A_435] : memref<6x128x128xf32, #tpu.memory_space<vmem>> -> memref<1x128x128xf32, #tpu.memory_space<vmem>>
    %dma_wait3A_437 = tpu.memref_squeeze %dma_wait3A_436 : memref<1x128x128xf32, #tpu.memory_space<vmem>> -> memref<128x128xf32, #tpu.memory_space<vmem>>
    tpu.wait_dma2 semaphore(%arg9 : memref<!tpu.dma_semaphore, #tpu.memory_space<semaphore_mem>>) src(%dma_wait3A_437 : memref<128x128xf32, #tpu.memory_space<vmem>>) dst(%dma_wait3A_433 : memref<128x128xf32, #tpu.memory_space<hbm>>)
    return
  }
}

</mosaic_0001>

<sc_bundles>
// kernel: kernel.3.cloned.1.call-start
scs
__scs_entry_jumppad:
0x0: {  	(pc) =	sbr.rel $0x88, $3  }
0x1: {  	(tag) =	ssettag $0x0;
	lr =	simm.s32 $0x1  }
0x2: {  	[smem:$0x3F9F] =	sst lr;
	_ =	strace $0xD0000000  }
0x3: {  	_ = 	snop  }
0x4: {  	_ = 	snop  }
0x5: {  	_ = 	snop  }
0x6: {  	_ = 	snop  }
0x7: {  	_ = 	snop  }
__scs_overlays_trampoline_lowered:
0x8: {  	[smem:$0x3FAE] =	sst s0  }
0x9: {  	[smem:$0x3FAF] =	sst s1  }
0xa: {  	[smem:$0x3FB0] =	sst s2  }
0xb: {  	[smem:$0x3FB1] =	sst s3  }
0xc: {  	[smem:$0x3FB2] =	sst s4  }
0xd: {  	[smem:$0x3FB3] =	sst s5  }
0xe: {  	[smem:$0x3FB4] =	sst s6  }
0xf: {  	[smem:$0x3FB5] =	sst s7  }
0x10: {  	[smem:$0x3FB6] =	sst s8  }
0x11: {  	[smem:$0x3FB7] =	sst s9;
	s0 =	simm.s32 @!p0 $0x0  }
0x12: {  	s1 =	sld [smem:$0x3F9D];
	s0 =	simm.s32 @p0 $0x1  }
0x13: {  	[smem:$0x3FB8] =	sst s0;
	s0 =	simm.s32 @!p1 $0x0  }
0x14: {  	s2 =	sld [smem:$0x3F9C];
	s0 =	simm.s32 @p1 $0x1  }
0x15: {  	[smem:$0x3FB9] =	sst s0;
	s0 =	simm.s32 @!p2 $0x0  }
0x16: {  	s3 =	sld [smem:$0x3FDB];
	s0 =	simm.s32 @p2 $0x1  }
0x17: {  	s4 =	simm.s32 $0x1BF5;
	[smem:$0x3FBB] =	sst s0  }
0x18: {  	s0 =	sld [smem:$0x3F9E];
	_ =	swait.ge [sflag:s4], $0x0  }
0x19: {  	s7 =	sld [smem:$0x3F9F]  }
0x1a: {  	s8 =	sadd.s32 $0xFFFFE003, lr  }
0x1b: {  	s9 =	sadd.s32 $0xFFFFFEF7, lr;
	s5 =	simm.s32 $0xFFFFFFFF;
	p2 =	slt.u32 s8, $0xFFFFF086  }
0x1c: {  	p1 =	slt.u32 s9, $0xF7A;
	s5 =	simm.s32 @!p2 $0x0  }
0x1d: {  	s5 =	simm.s32 @p1 $0x1;
	p0 =	seq.s32 s7, s2  }
0x1e: {  	s7 =	smul.u32 @!p0 $0xF7A, s2;
	p2 =	seq.s32 @!p0 s5, $0x0  }
0x1f: {  	s9 =	smul.u32 $0xF7A, s1;
	s8 =	simm.s32 @!p0 $0x1BF5;
	p2 =	por !p2, p0  }
0x20: {  	[sflag:s8] =	ssyncset.s32 @!p0 $0xFFFFF086;
	s6 =	sadd.s32 @!p0 s3, s7;
	s7 =	simm.s32 @!p0 $0x108  }
0x21: {  	s3 =	sadd.s32 s3, s9;
	s6 =	sadd.s32 @!p0 $0x88, s6;
	s7 =	simm.s32 @p2 $0x1082  }
0x22: {  	[simem:s7], [sflag:s8] =	dma.local @!p0 [hbm:s6], $0xF7A  }
0x23: {  	s9 =	sor.u32 $0xD0000000, s2;
	s6 =	simm.s32 $0x108;
	_ =	swait.ge @!p0 [sflag:s8], $0x0  }
0x24: {  	s3 =	sadd.s32 $0x88, s3;
	s6 =	simm.s32 @!p1 $0x1082;
	[sflag:s4] =	ssyncset.s32 $0xFFFFF086  }
0x25: {  	[simem:s6], [sflag:s4] =	dma.local [hbm:s3], $0xF7A  }
0x26: {  	[smem:$0x3F9F] =	sst s1;
	(tag) =	ssettag s2;
	_ =	strace s9  }
0x27: {  	s1 =	sld [smem:$0x3FAF]  }
0x28: {  	s2 =	sld [smem:$0x3FB0]  }
0x29: {  	s4 =	sld [smem:$0x3FB2]  }
0x2a: {  	p0 =	seq.s32 s5, $0x0;
	s5 =	sld [smem:$0x3FB3]  }
0x2b: {  	s6 =	sld [smem:$0x3FB4]  }
0x2c: {  	s7 =	sld [smem:$0x3FB5]  }
0x2d: {  	s3 =	simm.s32 $0x108;
	s8 =	sld [smem:$0x3FB6]  }
0x2e: {  	s3 =	simm.s32 @!p0 $0x1082;
	s9 =	sld [smem:$0x3FB7]  }
0x2f: {  	lr =	sadd.s32 s0, s3;
	s0 =	sld [smem:$0x3FAE]  }
0x30: {  	s3 =	sld [smem:$0x3FB1]  }
0x31: {  	[smem:$0x3FBA] =	sst s10  }
0x32: {  	s10 =	sld [smem:$0x3FB8];
	_ =	sdelay $0x3  }
0x33: {  	p0 =	seq.s32 s10, $0x1;
	s10 =	sld [smem:$0x3FBA];
	_ =	sdelay $0x3  }
0x34: {  	[smem:$0x3FBA] =	sst s10  }
0x35: {  	s10 =	sld [smem:$0x3FB9];
	_ =	sdelay $0x3  }
0x36: {  	p1 =	seq.s32 s10, $0x1;
	s10 =	sld [smem:$0x3FBA];
	_ =	sdelay $0x3  }
0x37: {  	[smem:$0x3FBA] =	sst s10  }
0x38: {  	s10 =	sld [smem:$0x3FBB]  }
0x39: {  	_ = 	snop;
	(pc) =	sbr.ind lr, $3  }
0x3a: {  	_ = 	snop  }
0x3b: {  	_ = 	snop  }
0x3c: {  	p2 =	seq.s32 s10, $0x1;
	s10 =	sld [smem:$0x3FBA]  }
0x3d: {  	_ =	shalt  }
0x3e: {  	_ =	shalt  }
0x3f: {  	_ =	shalt  }
0x40: {  	_ =	shalt  }
0x41: {  	_ =	shalt  }
0x42: {  	_ =	shalt  }
0x43: {  	_ =	shalt  }
0x44: {  	_ =	shalt  }
0x45: {  	_ =	shalt  }
0x46: {  	_ =	shalt  }
0x47: {  	_ =	shalt  }
0x48: {  	_ =	shalt  }
0x49: {  	_ =	shalt  }
0x4a: {  	_ =	shalt  }
0x4b: {  	_ =	shalt  }
0x4c: {  	_ =	shalt  }
0x4d: {  	_ =	shalt  }
0x4e: {  	_ =	shalt  }
0x4f: {  	_ =	shalt  }
0x50: {  	_ =	shalt  }
0x51: {  	_ =	shalt  }
0x52: {  	_ =	shalt  }
0x53: {  	_ =	shalt  }
0x54: {  	_ =	shalt  }
0x55: {  	_ =	shalt  }
0x56: {  	_ =	shalt  }
0x57: {  	_ =	shalt  }
0x58: {  	_ =	shalt  }
0x59: {  	_ =	shalt  }
0x5a: {  	_ =	shalt  }
0x5b: {  	_ =	shalt  }
0x5c: {  	_ =	shalt  }
0x5d: {  	_ =	shalt  }
0x5e: {  	_ =	shalt  }
0x5f: {  	_ =	shalt  }
0x60: {  	_ =	shalt  }
0x61: {  	_ =	shalt  }
0x62: {  	_ =	shalt  }
0x63: {  	_ =	shalt  }
0x64: {  	_ =	shalt  }
0x65: {  	_ =	shalt  }
0x66: {  	_ =	shalt  }
0x67: {  	_ =	shalt  }
0x68: {  	_ =	shalt  }
0x69: {  	_ =	shalt  }
0x6a: {  	_ =	shalt  }
0x6b: {  	_ =	shalt  }
0x6c: {  	_ =	shalt  }
0x6d: {  	_ =	shalt  }
0x6e: {  	_ =	shalt  }
0x6f: {  	_ =	shalt  }
0x70: {  	_ =	shalt  }
0x71: {  	_ =	shalt  }
0x72: {  	_ =	shalt  }
0x73: {  	_ =	shalt  }
0x74: {  	_ =	shalt  }
0x75: {  	_ =	shalt  }
0x76: {  	_ =	shalt  }
0x77: {  	_ =	shalt  }
0x78: {  	_ =	shalt  }
0x79: {  	_ =	shalt  }
0x7a: {  	_ =	shalt  }
0x7b: {  	_ =	shalt  }
0x7c: {  	_ =	shalt  }
0x7d: {  	_ =	shalt  }
0x7e: {  	_ =	shalt  }
0x7f: {  	_ =	shalt  }
0x80: {  	_ =	shalt  }
0x81: {  	_ =	shalt  }
0x82: {  	_ =	shalt  }
0x83: {  	_ =	shalt  }
0x84: {  	_ =	shalt  }
0x85: {  	_ =	shalt  }
0x86: {  	_ =	shalt  }
0x87: {  	_ =	shalt  }
.Lfunc_end0:
.L_simem_size_0:
called_computation.1_lowered:
.L_overlay_start_0:
0x88: {  	s2 =	sld [smem:$0x3FD9]  }
0x89: {  	s3 =	sld [smem:$0x3FFE];
	_ =	sdelay $0x1  }
0x8a: {  	s1 =	srdreg.scid  }
0x8b: {  	s0 =	sand.u32 $0x1, s1  }
0x8c: {  	s17 =	sshll.u32 s0, $0xA;
	s2 =	sadd.s32 s3, s2  }
0x8d: {  	s2 =	sadd.s32 s2, s17  }
0x8e: {  	[smem:$0x3FC6] =	sst s2  }
0x8f: {  	_ = 	snop  }
0x90: {  	s2 =	sld [smem:$0x3FD0];
	(tm) =	ssettm $0x1  }
0x91: {  	s18 =	sld [smem:$0x3FFB];
	_ =	sdelay $0x3  }
0x92: {  	_ =	strace s18  }
0x93: {  	s3 =	sld [smem:$0x3FFC];
	_ =	sdelay $0x3  }
0x94: {  	_ =	strace s3  }
0x95: {  	s3 =	sld [smem:$0x3FFD];
	_ =	sdelay $0x3  }
0x96: {  	_ =	strace s3  }
0x97: {  	_ =	strace $0x8FFFFFFF  }
0x98: {  	s19 =	sld [smem:$0x3FDB];
	_ =	sdelay $0x1  }
0x99: {  	s4 =	simm.s32 $_scs_section_size  }
0x9a: {  	s5 =	simm.s32 $_size__tile_overlayer_lowered;
	s6 =	simm.s32 $_tile_overlayer_lowered  }
0x9b: {  	s22 =	simm.s32 $0x1BFF;
	s21 =	sshll.u32 s6, $0x1;
	s3 =	sadd.s32 s4, s19  }
0x9c: {  	s7 =	simm.s32 $0x0;
	s20 =	sshll.u32 s5, $0x1;
	s5 =	sadd.s32 s21, s3  }
0x9d: {  	[timem:s7], [sflag:s22] =	dma.local [hbm:s5], s20  }
0x9e: {  	_ =	swait.ge [sflag:s22], s20  }
0x9f: {  	s4 =	ssub.s32 $0x0, s20;
	[sflag:s22] =	ssyncset.done $0x0  }
0xa0: {  	[sflag:s22] =	ssyncadd.s32 s4;
	_ =	sdelay $0x1  }
0xa1: {  	s23 =	simm.s32 $0x1B8B  }
0xa2: {  	_ =	swait.ge [sflag:s23], $0x1  }
0xa3: {  	[sflag:s23] =	ssyncset.done $0x0  }
0xa4: {  	s25 =	simm.s32 $0x1B8E;
	s24 =	sld [smem:$0x3FFE];
	[sflag:s23] =	ssyncadd.s32 $0xFFFFFFFF  }
0xa5: {  	s26 =	simm.s32 $execute0_lowered;
	[smem:$0x3FD2] =	sst s25  }
0xa6: {  	s5 =	sshll.u32 s26, $0x1;
	_ =	strace $0x80000046;
	[dreg:$0x1] =	wrdreg $0xFFFFFFFF  }
0xa7: {  	s28 =	simm.s32 $_size_execute0_lowered;
	s3 =	sadd.s32 s3, s5;
	[dreg:$0x0] =	wrdreg $0x0  }
0xa8: {  	s5 =	sshll.u32 s28, $0x1;
	[dreg:$0x2] =	wrdreg s3  }
0xa9: {  	[dreg:$0x3] =	wrdreg s5  }
0xaa: {  	[dreg:$0x4] =	wrdreg $0xC0  }
0xab: {  	_ =	task [dreg:s7], $0x5FFFF  }
0xac: {  	[dreg:$0x1] =	wrdreg $0xFFFFFFFF  }
0xad: {  	[dreg:$0x0] =	wrdreg $0x60  }
0xae: {  	[dreg:$0x2] =	wrdreg s2  }
0xaf: {  	[dreg:$0x3] =	wrdreg s24  }
0xb0: {  	[dreg:$0x4] =	wrdreg $0x9  }
0xb1: {  	_ =	task.clear_ibuf [dreg:s7], $0x5FFFF;
	_ =	strace $0x90000046  }
0xb2: {  	s29 =	simm.s32 $0x9;
	_ =	strace $0x80000048  }
0xb3: {  	_ =	swait.ge [sflag:s29], $0x1  }
0xb4: {  	[sflag:s29] =	ssyncadd.s32 $0xFFFFFFFF  }
0xb5: {  	_ =	strace $0x90000048  }
0xb6: {  	_ =	sfence  }
0xb7: {  	s30 =	sld [smem:$0x0];
	_ =	sdelay $0x2  }
0xb8: {  	s31 =	sshll.u32 s1, $0xD;
	s1 =	sshrl.u32 s1, $0x2  }
0xb9: {  	s3 =	sand.u32 $0x4000, s31;
	s1 =	sadd.s32 s1, s30  }
0xba: {  	s0 =	sor.u32 s3, s0;
	s1 =	sshll.u32 s1, $0x11  }
0xbb: {  	s0 =	sor.u32 s1, s0  }
0xbc: {  	s0 =	sadd.s32 $0x8F2B, s0  }
0xbd: {  	[sflag:s0] =	ssyncadd.remote.s32 $0x1  }
0xbe: {  	_ =	sfence.sel $0xFFFF  }
0xbf: {  	[dreg:$0x0] =	wrdreg $0xFFFFFFFF;
	(pc) =	sbr.abs _section_cstart, $3  }
0xc0: {  	[dreg:$0x1] =	wrdreg $0xFFFFFFFF  }
0xc1: {  	_ =	task.clear_ibuf [dreg:s7], $0x2FFFF;
	_ =	strace $0x9FFFFFFF  }
0xc2: {  	(tm) =	ssettm $0x7FFFFFFF  }
0xc3: {  	_ =	shalt  }
tec
execute0_lowered:
.L_overlay_start_1:
0x0: {  	(tag) =	ssettag $0x1  }
0x1: {  	s0 =	rddreg [dreg:$0x0]  }
0x2: {  	s1 =	rddreg [dreg:$0x1]  }
0x3: {  	s3 =	srdreg.scid;
	s11 =	stileid.u32;
	s2 =	simm.s32 $0x0  }
0x4: {  	s15 =	simm.s32 $0x1;
	s16 =	simm.s32 $0x80;
	s17 =	simm.s32 $0x6400  }
0x5: {  	s18 =	simm.s32 $0xA400;
	s20 =	simm.s32 $0xE400;
	s28 =	simm.s32 $0x1A400  }
0x6: {  	s29 =	simm.s32 $0x3;
	s30 =	simm.s32 $0x6300;
	s31 =	simm.s32 $0x6380  }
0x7: {  	s10 =	sand.u32 $0x1, s3;
	s22 =	sshll.u32 s11, $0x1;
	s12 =	smul.u32 $0xC8000, s11  }
0x8: {  	[smem:$0x7FF] =	sst s2;
	s4 =	sor.u32 s10, s22;
	s14 =	smul.u32 $0x64000, s10  }
0x9: {  	s3 =	sadd.s32 $0xF42E00, s1;
	s1 =	sadd.s32 $0xA00, s1;
	s5 =	smul.u32 $0x6400, s4  }
0xa: {  	_ =	strace $0x80000047;
	s6 =	ssub.s32 $0x2, s10;
	s7 =	smul.u32 $0x320000, s4  }
0xb: {  	s22 =	simm.s32 $0x12400;
	s8 =	sshrl.u32 s6, $0x1;
	s9 =	smul.u32 $0x64000, s4  }
0xc: {  	s13 =	ssub.s32 s6, s8;
	s23 =	sshrl.u32 s5, $0x3;
	s24 =	sshrl.u32 s7, $0x3  }
0xd: {  	s5 =	sadd.s32 s1, s9;
	s13 =	smax.u32 s13, $0x1;
	s4 =	sadd.s32 s0, s23  }
0xe: {  	s25 =	sadd.s32 s1, s24;
	s6 =	sadd.s32 $0x800, s5;
	s1 =	sadd.s32 s12, s1  }
0xf: {  	s24 =	simm.s32 $0x16400;
	s0 =	simm.s32 $0x0;
	s7 =	sadd.s32 $0x61000, s25  }
0x10: {  	s8 =	sadd.s32 $0x61800, s25;
	s9 =	sadd.s32 $0x62000, s25;
	s10 =	sadd.s32 $0x62800, s25  }
0x11: {  	s11 =	sadd.s32 $0x63000, s25;
	s12 =	sadd.s32 $0x63800, s25;
	s26 =	sadd.s32 s14, s1  }
0x12: {  	s25 =	simm.s32 $0x2;
	s14 =	sadd.s32 $0x2000, s26;
	s26 =	simm.s32 $0x280  }
.LBB2_1:
0x13: {  	[tilespmem:s2], [sflag:$0x1] =	stream.linear.gather [hbm4b:s4+s2], $0x6400, $0x38;
	[tilespmem:$0x1E400] =	vst v63  }
0x14: {  	_ =	swait.ge [sflag:s15], $0x6400  }
0x15: {  	[sflag:s15] =	ssyncset.done $0x0  }
0x16: {  	[sflag:s15] =	ssyncadd.s32 $0xFFFF9C00  }
0x17: {  	[tilespmem:s17], [sflag:$0x2] =	stream.indirect.gather [hbm4b:s3+s16], $0x80, s2, s16, $0xb8;
	[tilespmem:$0x1E400] =	vst v63  }
0x18: {  	_ = 	snop  }
0x19: {  	[tilespmem:s18], [sflag:$0x2] =	stream.indirect.gather [hbm4b:s3+s16], $0x80, s16, s16, $0xb8;
	[tilespmem:$0x1E400] =	vst v63  }
0x1a: {  	s1 =	simm.s32 $0x100  }
0x1b: {  	[tilespmem:s20], [sflag:$0x2] =	stream.indirect.gather [hbm4b:s3+s16], $0x80, s1, s16, $0xb8;
	[tilespmem:$0x1E400] =	vst v63  }
0x1c: {  	s19 =	simm.s32 $0x180  }
0x1d: {  	[tilespmem:s22], [sflag:$0x2] =	stream.indirect.gather [hbm4b:s3+s16], $0x80, s19, s16, $0xb8;
	[tilespmem:$0x1E400] =	vst v63  }
0x1e: {  	s21 =	simm.s32 $0x200  }
0x1f: {  	[tilespmem:s24], [sflag:$0x2] =	stream.indirect.gather [hbm4b:s3+s16], $0x80, s21, s16, $0xb8;
	[tilespmem:$0x1E400] =	vst v63  }
0x20: {  	_ =	swait.ge [sflag:s25], $0x4000  }
0x21: {  	[sflag:s25] =	ssyncset.done $0x0  }
0x22: {  	[sflag:s25] =	ssyncadd.s32 $0xFFFFC000  }
0x23: {  	[hbm4b:s5+s2] =	stream.linear.scatter [tilespmem:s17], [sflag:$0x3], $0x4000, $0x38;
	[tilespmem:$0x1E400] =	vst v63  }
0x24: {  	_ = 	snop  }
0x25: {  	[tilespmem:s28], [sflag:$0x2] =	stream.indirect.gather [hbm4b:s3+s16], $0x80, s26, s16, $0xb8;
	[tilespmem:$0x1E400] =	vst v63  }
0x26: {  	_ =	swait.ge [sflag:s25], $0x4000  }
0x27: {  	[sflag:s25] =	ssyncset.done $0x0  }
0x28: {  	[sflag:s25] =	ssyncadd.s32 $0xFFFFC000  }
0x29: {  	[hbm4b:s6+s2] =	stream.linear.scatter [tilespmem:s18], [sflag:$0x3], $0x4000, $0x38;
	[tilespmem:$0x1E400] =	vst v63  }
0x2a: {  	_ =	swait.ge [sflag:s29], $0x4000  }
0x2b: {  	[sflag:s29] =	ssyncset.done $0x0  }
0x2c: {  	s23 =	simm.s32 $0x300;
	[sflag:s29] =	ssyncadd.s32 $0xFFFFC000  }
0x2d: {  	[tilespmem:s17], [sflag:$0x2] =	stream.indirect.gather [hbm4b:s3+s16], $0x80, s23, s16, $0xb8;
	[tilespmem:$0x1E400] =	vst v63  }
0x2e: {  	_ =	swait.ge [sflag:s25], $0x4000  }
0x2f: {  	[sflag:s25] =	ssyncset.done $0x0  }
0x30: {  	s19 =	sadd.s32 $0xFFFFF000, s14;
	[sflag:s25] =	ssyncadd.s32 $0xFFFFC000  }
0x31: {  	[hbm4b:s19+s2] =	stream.linear.scatter [tilespmem:s20], [sflag:$0x3], $0x4000, $0x38;
	[tilespmem:$0x1E400] =	vst v63  }
0x32: {  	_ =	swait.ge [sflag:s29], $0x4000  }
0x33: {  	[sflag:s29] =	ssyncset.done $0x0  }
0x34: {  	s21 =	simm.s32 $0x380;
	[sflag:s29] =	ssyncadd.s32 $0xFFFFC000  }
0x35: {  	[tilespmem:s18], [sflag:$0x2] =	stream.indirect.gather [hbm4b:s3+s16], $0x80, s21, s16, $0xb8;
	[tilespmem:$0x1E400] =	vst v63  }
0x36: {  	_ =	swait.ge [sflag:s25], $0x4000  }
0x37: {  	[sflag:s25] =	ssyncset.done $0x0  }
0x38: {  	s23 =	sadd.s32 $0xFFFFF800, s14;
	[sflag:s25] =	ssyncadd.s32 $0xFFFFC000  }
0x39: {  	[hbm4b:s23+s2] =	stream.linear.scatter [tilespmem:s22], [sflag:$0x3], $0x4000, $0x38;
	[tilespmem:$0x1E400] =	vst v63  }
0x3a: {  	_ =	swait.ge [sflag:s29], $0x4000  }
0x3b: {  	[sflag:s29] =	ssyncset.done $0x0  }
0x3c: {  	s19 =	simm.s32 $0x400;
	[sflag:s29] =	ssyncadd.s32 $0xFFFFC000  }
0x3d: {  	[tilespmem:s20], [sflag:$0x2] =	stream.indirect.gather [hbm4b:s3+s16], $0x80, s19, s16, $0xb8;
	[tilespmem:$0x1E400] =	vst v63  }
0x3e: {  	_ =	swait.ge [sflag:s25], $0x4000  }
0x3f: {  	[sflag:s25] =	ssyncset.done $0x0  }
0x40: {  	[sflag:s25] =	ssyncadd.s32 $0xFFFFC000  }
0x41: {  	[hbm4b:s14+s2] =	stream.linear.scatter [tilespmem:s24], [sflag:$0x3], $0x4000, $0x38;
	[tilespmem:$0x1E400] =	vst v63  }
0x42: {  	_ =	swait.ge [sflag:s29], $0x4000  }
0x43: {  	[sflag:s29] =	ssyncset.done $0x0  }
0x44: {  	s21 =	simm.s32 $0x480;
	[sflag:s29] =	ssyncadd.s32 $0xFFFFC000  }
0x45: {  	[tilespmem:s22], [sflag:$0x2] =	stream.indirect.gather [hbm4b:s3+s16], $0x80, s21, s16, $0xb8;
	[tilespmem:$0x1E400] =	vst v63  }
0x46: {  	_ =	swait.ge [sflag:s25], $0x4000  }
0x47: {  	[sflag:s25] =	ssyncset.done $0x0  }
0x48: {  	s23 =	sadd.s32 $0x800, s14;
	[sflag:s25] =	ssyncadd.s32 $0xFFFFC000  }
0x49: {  	[hbm4b:s23+s2] =	stream.linear.scatter [tilespmem:s28], [sflag:$0x3], $0x4000, $0x38;
	[tilespmem:$0x1E400] =	vst v63  }
0x4a: {  	_ =	swait.ge [sflag:s29], $0x4000  }
0x4b: {  	[sflag:s29] =	ssyncset.done $0x0  }
0x4c: {  	s19 =	simm.s32 $0x500;
	[sflag:s29] =	ssyncadd.s32 $0xFFFFC000  }
0x4d: {  	[tilespmem:s24], [sflag:$0x2] =	stream.indirect.gather [hbm4b:s3+s16], $0x80, s19, s16, $0xb8;
	[tilespmem:$0x1E400] =	vst v63  }
0x4e: {  	_ =	swait.ge [sflag:s25], $0x4000  }
0x4f: {  	[sflag:s25] =	ssyncset.done $0x0  }
0x50: {  	s21 =	sadd.s32 $0x1000, s14;
	[sflag:s25] =	ssyncadd.s32 $0xFFFFC000  }
0x51: {  	[hbm4b:s21+s2] =	stream.linear.scatter [tilespmem:s17], [sflag:$0x3], $0x4000, $0x38;
	[tilespmem:$0x1E400] =	vst v63  }
0x52: {  	_ =	swait.ge [sflag:s29], $0x4000  }
0x53: {  	[sflag:s29] =	ssyncset.done $0x0  }
0x54: {  	s23 =	simm.s32 $0x580;
	[sflag:s29] =	ssyncadd.s32 $0xFFFFC000  }
0x55: {  	[tilespmem:s28], [sflag:$0x2] =	stream.indirect.gather [hbm4b:s3+s16], $0x80, s23, s16, $0xb8;
	[tilespmem:$0x1E400] =	vst v63  }
0x56: {  	_ =	swait.ge [sflag:s25], $0x4000  }
0x57: {  	s1 =	simm.s32 $0xC00;
	[sflag:s25] =	ssyncset.done $0x0  }
0x58: {  	s19 =	sadd.s32 $0x3000, s14;
	s21 =	sadd.s32 $0x1800, s14;
	[sflag:s25] =	ssyncadd.s32 $0xFFFFC000  }
.LBB2_2:
0x59: {  	[hbm4b:s21+s2] =	stream.linear.scatter [tilespmem:s18], [sflag:$0x3], $0x4000, $0x38;
	[tilespmem:$0x1E400] =	vst v63  }
0x5a: {  	s21 =	smov.u32 s1  }
0x5b: {  	p0 =	sne.s32 s1, $0x17400;
	s1 =	sadd.s32 $0xC00, s1;
	_ =	swait.ge [sflag:s29], $0x4000  }
0x5c: {  	s21 =	sshra.s32 s21, $0x2;
	[sflag:s29] =	ssyncset.done $0x0  }
0x5d: {  	s23 =	sadd.s32 $0x300, s21;
	[sflag:s29] =	ssyncadd.s32 $0xFFFFC000  }
0x5e: {  	[tilespmem:s17], [sflag:$0x2] =	stream.indirect.gather [hbm4b:s3+s16], $0x80, s23, s16, $0xb8;
	[tilespmem:$0x1E400] =	vst v63  }
0x5f: {  	_ =	swait.ge [sflag:s25], $0x4000  }
0x60: {  	[sflag:s25] =	ssyncset.done $0x0  }
0x61: {  	s23 =	sadd.s32 $0xFFFFF000, s19;
	[sflag:s25] =	ssyncadd.s32 $0xFFFFC000  }
0x62: {  	[hbm4b:s23+s2] =	stream.linear.scatter [tilespmem:s20], [sflag:$0x3], $0x4000, $0x38;
	[tilespmem:$0x1E400] =	vst v63  }
0x63: {  	_ =	swait.ge [sflag:s29], $0x4000  }
0x64: {  	[sflag:s29] =	ssyncset.done $0x0  }
0x65: {  	s23 =	sadd.s32 $0x380, s21;
	[sflag:s29] =	ssyncadd.s32 $0xFFFFC000  }
0x66: {  	[tilespmem:s18], [sflag:$0x2] =	stream.indirect.gather [hbm4b:s3+s16], $0x80, s23, s16, $0xb8;
	[tilespmem:$0x1E400] =	vst v63  }
0x67: {  	_ =	swait.ge [sflag:s25], $0x4000  }
0x68: {  	[sflag:s25] =	ssyncset.done $0x0  }
0x69: {  	s23 =	sadd.s32 $0xFFFFF800, s19;
	[sflag:s25] =	ssyncadd.s32 $0xFFFFC000  }
0x6a: {  	[hbm4b:s23+s2] =	stream.linear.scatter [tilespmem:s22], [sflag:$0x3], $0x4000, $0x38;
	[tilespmem:$0x1E400] =	vst v63  }
0x6b: {  	_ =	swait.ge [sflag:s29], $0x4000  }
0x6c: {  	[sflag:s29] =	ssyncset.done $0x0  }
0x6d: {  	s23 =	sadd.s32 $0x400, s21;
	[sflag:s29] =	ssyncadd.s32 $0xFFFFC000  }
0x6e: {  	[tilespmem:s20], [sflag:$0x2] =	stream.indirect.gather [hbm4b:s3+s16], $0x80, s23, s16, $0xb8;
	[tilespmem:$0x1E400] =	vst v63  }
0x6f: {  	_ =	swait.ge [sflag:s25], $0x4000  }
0x70: {  	[sflag:s25] =	ssyncset.done $0x0  }
0x71: {  	[sflag:s25] =	ssyncadd.s32 $0xFFFFC000  }
0x72: {  	[hbm4b:s19+s2] =	stream.linear.scatter [tilespmem:s24], [sflag:$0x3], $0x4000, $0x38;
	[tilespmem:$0x1E400] =	vst v63  }
0x73: {  	_ =	swait.ge [sflag:s29], $0x4000  }
0x74: {  	[sflag:s29] =	ssyncset.done $0x0  }
0x75: {  	s23 =	sadd.s32 $0x480, s21;
	[sflag:s29] =	ssyncadd.s32 $0xFFFFC000  }
0x76: {  	[tilespmem:s22], [sflag:$0x2] =	stream.indirect.gather [hbm4b:s3+s16], $0x80, s23, s16, $0xb8;
	[tilespmem:$0x1E400] =	vst v63  }
0x77: {  	_ =	swait.ge [sflag:s25], $0x4000  }
0x78: {  	[sflag:s25] =	ssyncset.done $0x0  }
0x79: {  	s23 =	sadd.s32 $0x800, s19;
	[sflag:s25] =	ssyncadd.s32 $0xFFFFC000  }
0x7a: {  	[hbm4b:s23+s2] =	stream.linear.scatter [tilespmem:s28], [sflag:$0x3], $0x4000, $0x38;
	[tilespmem:$0x1E400] =	vst v63  }
0x7b: {  	_ =	swait.ge [sflag:s29], $0x4000  }
0x7c: {  	[sflag:s29] =	ssyncset.done $0x0  }
0x7d: {  	s23 =	sadd.s32 $0x500, s21;
	[sflag:s29] =	ssyncadd.s32 $0xFFFFC000  }
0x7e: {  	[tilespmem:s24], [sflag:$0x2] =	stream.indirect.gather [hbm4b:s3+s16], $0x80, s23, s16, $0xb8;
	[tilespmem:$0x1E400] =	vst v63  }
0x7f: {  	_ =	swait.ge [sflag:s25], $0x4000  }
0x80: {  	[sflag:s25] =	ssyncset.done $0x0  }
0x81: {  	s23 =	sadd.s32 $0x1000, s19;
	[sflag:s25] =	ssyncadd.s32 $0xFFFFC000  }
0x82: {  	[hbm4b:s23+s2] =	stream.linear.scatter [tilespmem:s17], [sflag:$0x3], $0x4000, $0x38;
	[tilespmem:$0x1E400] =	vst v63  }
0x83: {  	_ =	swait.ge [sflag:s29], $0x4000  }
0x84: {  	[sflag:s29] =	ssyncset.done $0x0  }
.Ltmp0:
0x85: {  	s21 =	sadd.s32 $0x580, s21;
	[sflag:s29] =	ssyncadd.s32 $0xFFFFC000;
	(pc) =	sbr.rel @p0 .LBB2_2-.Ltmp0, $4  }
0x86: {  	[tilespmem:s28], [sflag:$0x2] =	stream.indirect.gather [hbm4b:s3+s16], $0x80, s21, s16, $0xb8;
	[tilespmem:$0x1E400] =	vst v63  }
0x87: {  	_ =	swait.ge [sflag:s25], $0x4000  }
0x88: {  	[sflag:s25] =	ssyncset.done $0x0  }
0x89: {  	s21 =	sadd.s32 $0x1800, s19;
	s19 =	sadd.s32 $0x3000, s19;
	[sflag:s25] =	ssyncadd.s32 $0xFFFFC000  }
0x8a: {  	[hbm4b:s21+s2] =	stream.linear.scatter [tilespmem:s18], [sflag:$0x3], $0x4000, $0x38;
	[tilespmem:$0x1E400] =	vst v63  }
0x8b: {  	_ =	swait.ge [sflag:s29], $0x4000  }
0x8c: {  	[sflag:s29] =	ssyncset.done $0x0  }
0x8d: {  	[sflag:s29] =	ssyncadd.s32 $0xFFFFC000  }
0x8e: {  	[tilespmem:s17], [sflag:$0x2] =	stream.indirect.gather [hbm4b:s3+s16], $0x80, s30, s16, $0xb8;
	[tilespmem:$0x1E400] =	vst v63  }
0x8f: {  	_ =	swait.ge [sflag:s25], $0x4000  }
0x90: {  	[sflag:s25] =	ssyncset.done $0x0  }
0x91: {  	[sflag:s25] =	ssyncadd.s32 $0xFFFFC000  }
0x92: {  	[hbm4b:s7+s2] =	stream.linear.scatter [tilespmem:s20], [sflag:$0x3], $0x4000, $0x38;
	[tilespmem:$0x1E400] =	vst v63  }
0x93: {  	_ =	swait.ge [sflag:s29], $0x4000  }
0x94: {  	[sflag:s29] =	ssyncset.done $0x0  }
0x95: {  	[sflag:s29] =	ssyncadd.s32 $0xFFFFC000  }
0x96: {  	[tilespmem:s18], [sflag:$0x2] =	stream.indirect.gather [hbm4b:s3+s16], $0x80, s31, s16, $0xb8;
	[tilespmem:$0x1E400] =	vst v63  }
0x97: {  	_ =	swait.ge [sflag:s25], $0x4000  }
0x98: {  	[sflag:s25] =	ssyncset.done $0x0  }
0x99: {  	[sflag:s25] =	ssyncadd.s32 $0xFFFFC000  }
0x9a: {  	[hbm4b:s8+s2] =	stream.linear.scatter [tilespmem:s22], [sflag:$0x3], $0x4000, $0x38;
	[tilespmem:$0x1E400] =	vst v63  }
0x9b: {  	_ =	swait.ge [sflag:s29], $0x4000  }
0x9c: {  	[sflag:s29] =	ssyncset.done $0x0  }
0x9d: {  	[sflag:s29] =	ssyncadd.s32 $0xFFFFC000  }
0x9e: {  	_ =	swait.ge [sflag:s25], $0x4000  }
0x9f: {  	[sflag:s25] =	ssyncset.done $0x0  }
0xa0: {  	[sflag:s25] =	ssyncadd.s32 $0xFFFFC000  }
0xa1: {  	[hbm4b:s9+s2] =	stream.linear.scatter [tilespmem:s24], [sflag:$0x3], $0x4000, $0x38;
	[tilespmem:$0x1E400] =	vst v63  }
0xa2: {  	_ =	swait.ge [sflag:s29], $0x4000  }
0xa3: {  	[sflag:s29] =	ssyncset.done $0x0  }
0xa4: {  	[sflag:s29] =	ssyncadd.s32 $0xFFFFC000  }
0xa5: {  	_ =	swait.ge [sflag:s25], $0x4000  }
0xa6: {  	[sflag:s25] =	ssyncset.done $0x0  }
0xa7: {  	[sflag:s25] =	ssyncadd.s32 $0xFFFFC000  }
0xa8: {  	[hbm4b:s10+s2] =	stream.linear.scatter [tilespmem:s28], [sflag:$0x3], $0x4000, $0x38;
	[tilespmem:$0x1E400] =	vst v63  }
0xa9: {  	_ =	swait.ge [sflag:s29], $0x4000  }
0xaa: {  	[sflag:s29] =	ssyncset.done $0x0  }
0xab: {  	[sflag:s29] =	ssyncadd.s32 $0xFFFFC000  }
0xac: {  	_ =	swait.ge [sflag:s25], $0x4000  }
0xad: {  	[sflag:s25] =	ssyncset.done $0x0  }
0xae: {  	[sflag:s25] =	ssyncadd.s32 $0xFFFFC000  }
0xaf: {  	[hbm4b:s11+s2] =	stream.linear.scatter [tilespmem:s17], [sflag:$0x3], $0x4000, $0x38;
	[tilespmem:$0x1E400] =	vst v63  }
0xb0: {  	_ =	swait.ge [sflag:s29], $0x4000  }
0xb1: {  	[sflag:s29] =	ssyncset.done $0x0  }
0xb2: {  	[sflag:s29] =	ssyncadd.s32 $0xFFFFC000  }
0xb3: {  	_ =	swait.ge [sflag:s25], $0x4000  }
0xb4: {  	[sflag:s25] =	ssyncset.done $0x0  }
0xb5: {  	s0 =	sadd.s32 $0x1, s0;
	[sflag:s25] =	ssyncadd.s32 $0xFFFFC000  }
0xb6: {  	[hbm4b:s12+s2] =	stream.linear.scatter [tilespmem:s18], [sflag:$0x3], $0x4000, $0x38;
	[tilespmem:$0x1E400] =	vst v63  }
0xb7: {  	p0 =	sne.s32 s0, s13;
	_ =	swait.ge [sflag:s29], $0x4000  }
.Ltmp1:
0xb8: {  	[sflag:s29] =	ssyncset.done $0x0;
	(pc) =	sbr.rel @p0 .LBB2_1-.Ltmp1, $4  }
0xb9: {  	[sflag:s29] =	ssyncadd.s32 $0xFFFFC000  }
0xba: {  	_ =	swait.ge [sflag:s29], $0x4000  }
0xbb: {  	[sflag:s29] =	ssyncset.done $0x0  }
0xbc: {  	[sflag:s29] =	ssyncadd.s32 $0xFFFFC000  }
0xbd: {  	_ =	sfence.sel $0x180000  }
0xbe: {  	[bflag:$0x0] =	sbarrier.arrive $0xFFFF  }
0xbf: {  	_ =	strace $0x90000047  }
0xc0: {  	s0 =	stileid.u32;
	[bflag:$0x2] =	sbarrier.arrive $0xFFFF  }
0xc1: {  	p0 =	sne.s32 s0, $0x0;
	s0 =	rddreg [dreg:$0x2]  }
0xc2: {  	s0 =	sadd.s32 @!p0 $0x100000, s0  }
0xc3: {  	[sflag:s0] =	ssyncadd.tile.s32 @!p0 $0x1;
	_ =	shalt  }
.Lfunc_end2:
_tile_overlayer_lowered:
.L_overlay_start_2:
0xc4: {  	(tag) =	ssettag $0x2  }
0xc5: {  	s0 =	rddreg [dreg:$0x0];
	s2 =	stileid.u32  }
0xc6: {  	s1 =	rddreg [dreg:$0x1];
	p0 =	sne.s32 s2, $0x0  }
0xc7: {  	s3 =	rddreg [dreg:$0x2];
	[bflag:$0x3] =	sbarrier.arrive $0xFFFF;
	s2 =	simm.s32 @!p0 $0x1C04  }
0xc8: {  	[timem:s3], [sflag:s2] =	dma.local @!p0 [hbm:s0], s1  }
0xc9: {  	s0 =	simm.s32 @!p0 $0x4  }
0xca: {  	_ =	swait.ge @!p0 [sflag:s0], s1  }
0xcb: {  	s1 =	ssub.s32 @!p0 $0x0, s1;
	[sflag:s0] =	ssyncset.done @!p0 $0x0  }
0xcc: {  	[sflag:s0] =	ssyncadd.s32 @!p0 s1  }
0xcd: {  	[bflag:$0x3] =	sbarrier.arrive $0xFFFF  }
0xce: {  	_ =	shalt  }

// kernel: sparse-core-data-format-call.cloned.1.call-start
scs
called_computation_lowered:
.L_overlay_start_0:
0x0: {  	s2 =	sld [smem:$0x3FD9]  }
0x1: {  	s3 =	sld [smem:$0x3FFE];
	_ =	sdelay $0x1  }
0x2: {  	s1 =	srdreg.scid  }
0x3: {  	s0 =	sand.u32 $0x1, s1  }
0x4: {  	s18 =	sshll.u32 s0, $0xA;
	s2 =	sadd.s32 s3, s2  }
0x5: {  	s2 =	sadd.s32 s2, s18  }
0x6: {  	[smem:$0x3FC6] =	sst s2  }
0x7: {  	_ = 	snop  }
0x8: {  	s2 =	sld [smem:$0x3FD0];
	(tm) =	ssettm $0x1  }
0x9: {  	s19 =	sld [smem:$0x3FFB];
	_ =	sdelay $0x3  }
0xa: {  	_ =	strace s19  }
0xb: {  	s3 =	sld [smem:$0x3FFC];
	_ =	sdelay $0x3  }
0xc: {  	_ =	strace s3  }
0xd: {  	s3 =	sld [smem:$0x3FFD];
	_ =	sdelay $0x3  }
0xe: {  	_ =	strace s3  }
0xf: {  	_ =	strace $0x8FFFFFFF  }
0x10: {  	s20 =	sld [smem:$0x3FDB];
	_ =	sdelay $0x1  }
0x11: {  	s4 =	simm.s32 $_scs_section_size  }
0x12: {  	s5 =	simm.s32 $_size__tile_overlayer_lowered;
	s6 =	simm.s32 $_tile_overlayer_lowered  }
0x13: {  	s23 =	simm.s32 $0x1BFF;
	s22 =	sshll.u32 s6, $0x1;
	s3 =	sadd.s32 s4, s20  }
0x14: {  	s7 =	simm.s32 $0x0;
	s21 =	sshll.u32 s5, $0x1;
	s5 =	sadd.s32 s22, s3  }
0x15: {  	[timem:s7], [sflag:s23] =	dma.local [hbm:s5], s21  }
0x16: {  	_ =	swait.ge [sflag:s23], s21  }
0x17: {  	s4 =	ssub.s32 $0x0, s21;
	[sflag:s23] =	ssyncset.done $0x0  }
0x18: {  	[sflag:s23] =	ssyncadd.s32 s4;
	_ =	sdelay $0x1  }
0x19: {  	s24 =	simm.s32 $0x1B8B  }
0x1a: {  	_ =	swait.ge [sflag:s24], $0x1  }
0x1b: {  	[sflag:s24] =	ssyncset.done $0x0  }
0x1c: {  	s26 =	simm.s32 $0x1B8E;
	s25 =	sld [smem:$0x3FFE];
	[sflag:s24] =	ssyncadd.s32 $0xFFFFFFFF  }
0x1d: {  	s27 =	simm.s32 $execute0_lowered;
	[smem:$0x3FD2] =	sst s26  }
0x1e: {  	s5 =	sshll.u32 s27, $0x1;
	_ =	strace $0x80000049;
	[dreg:$0x1] =	wrdreg $0xFFFFFFFF  }
0x1f: {  	s28 =	simm.s32 $_size_execute0_lowered;
	s3 =	sadd.s32 s3, s5;
	[dreg:$0x0] =	wrdreg $0x0  }
0x20: {  	s5 =	sshll.u32 s28, $0x1;
	[dreg:$0x2] =	wrdreg s3  }
0x21: {  	[dreg:$0x3] =	wrdreg s5  }
0x22: {  	[dreg:$0x4] =	wrdreg $0xC0  }
0x23: {  	_ =	task [dreg:s7], $0x5FFFF  }
0x24: {  	[dreg:$0x1] =	wrdreg $0xFFFFFFFF  }
0x25: {  	[dreg:$0x0] =	wrdreg $0x60  }
0x26: {  	[dreg:$0x2] =	wrdreg s25  }
0x27: {  	[dreg:$0x3] =	wrdreg s2  }
0x28: {  	[dreg:$0x4] =	wrdreg $0x9  }
0x29: {  	_ =	task.clear_ibuf [dreg:s7], $0x5FFFF;
	_ =	strace $0x90000049  }
0x2a: {  	s29 =	simm.s32 $0x9;
	_ =	strace $0x8000004B  }
0x2b: {  	_ =	swait.ge [sflag:s29], $0x1  }
0x2c: {  	[sflag:s29] =	ssyncadd.s32 $0xFFFFFFFF  }
0x2d: {  	_ =	strace $0x9000004B  }
0x2e: {  	_ =	sfence  }
0x2f: {  	s30 =	sld [smem:$0x0];
	_ =	sdelay $0x2  }
0x30: {  	s31 =	sshll.u32 s1, $0xD;
	s1 =	sshrl.u32 s1, $0x2  }
0x31: {  	s3 =	sand.u32 $0x4000, s31;
	s1 =	sadd.s32 s1, s30  }
0x32: {  	s0 =	sor.u32 s3, s0;
	s1 =	sshll.u32 s1, $0x11  }
0x33: {  	s0 =	sor.u32 s1, s0  }
0x34: {  	s0 =	sadd.s32 $0x8F2B, s0  }
0x35: {  	[sflag:s0] =	ssyncadd.remote.s32 $0x1  }
0x36: {  	_ =	sfence.sel $0xFFFF  }
0x37: {  	[dreg:$0x0] =	wrdreg $0xFFFFFFFF;
	(pc) =	sbr.abs _section_cstart, $3  }
0x38: {  	[dreg:$0x1] =	wrdreg $0xFFFFFFFF  }
0x39: {  	_ =	task.clear_ibuf [dreg:s7], $0x2FFFF;
	_ =	strace $0x9FFFFFFF  }
0x3a: {  	(tm) =	ssettm $0x7FFFFFFF  }
0x3b: {  	_ =	shalt  }
tec
execute0_lowered:
.L_overlay_start_1:
0x0: {  	(tag) =	ssettag $0x1  }
0x1: {  	s0 =	srdreg.scid  }
0x2: {  	s1 =	sshll.u32 s0, $0x4  }
0x3: {  	s0 =	stileid.u32;
	s1 =	sand.u32 $0x10, s1  }
0x4: {  	s1 =	sor.u32 s0, s1  }
0x5: {  	s6 =	rddreg [dreg:$0x0];
	s4 =	simm.s32 $0x1;
	s2 =	sshll.u32 s1, $0x7  }
0x6: {  	s7 =	simm.s32 $0x2;
	s12 =	simm.s32 $0x0;
	s1 =	ssub.s32 $0x1000, s2  }
0x7: {  	s8 =	simm.s32 $0x8000;
	s13 =	simm.s32 $0x0;
	s3 =	sand.u32 $0xF80, s1  }
0x8: {  	s9 =	simm.s32 $0x0;
	s5 =	sshrl.u32 s1, $0xC;
	p0 =	sne.s32 s3, $0x0  }
.Ltmp0:
0x9: {  	s1 =	rddreg [dreg:$0x2];
	s4 =	simm.s32 @!p0 $0x0;
	(pc) =	sbr.rel .LBB1_1-.Ltmp0, $4  }
0xa: {  	s11 =	simm.s32 $0x0;
	s3 =	rddreg [dreg:$0x1];
	s5 =	sadd.s32 s4, s5  }
0xb: {  	_ =	strace $0x8000004A;
	s4 =	simm.s32 $0x1;
	s5 =	smul.u32 $0xC8, s5  }
0xc: {  	s6 =	sadd.s32 $0xA00, s6;
	s10 =	smov.u32 s2;
	[sflag:s4] =	ssyncpa.u1 $0x0  }
0xd: {  	p0 =	por $0x0, $0x0;
	[sflag:s7] =	ssyncpa.u1 $0x0;
	s7 =	sor.u32 $0x1, s5  }
.LBB1_4:
0xe: {  	s16 =	sshll.u32 s13, $0x3;
	s17 =	sand.u32 $0x78, s13  }
0xf: {  	s30 =	sand.u32 $0x7E00, s13;
	s12 =	sshll.u32 s12, $0xF;
	s16 =	sand.u32 $0xC00, s16  }
0x10: {  	[tilespmem:s15+$0x810 ss:$0x81] =	vst.msk $0xffff, v2;
	s31 =	sand.u32 $0x7, s13;
	s16 =	sor.u32 s17, s16;
	s17 =	sadd.s32 s3, s30  }
0x11: {  	[tilespmem:s15+$0x1020 ss:$0x81] =	vst.msk $0xffff, v0;
	s13 =	sshll.u32 s31, $0x12;
	s12 =	sadd.s32 s12, s17;
	s16 =	sshrl.u32 s16, $0x3  }
0x12: {  	[tilespmem:s15+$0x0 ss:$0x81] =	vst.msk $0xffff, v1;
	s13 =	sor.u32 $0x400, s13;
	s12 =	sadd.s32 s16, s12  }
0x13: {  	[hbm4b:s12+s13] =	stream.strided.scatter [tilespmem:s14], [sflag:$0x2], $0x2000, s8, s13, $0x20;
	[tilespmem:$0x8080] =	vst v63  }
.LBB1_5:
0x14: {  	s14 =	sadd.s32 $0x1, s9  }
0x15: {  	s12 =	sadd.s32 $0x1000, s10;
	s16 =	smov.u32 s10;
	p2 =	sgt.s32 s14, $0xC7  }
0x16: {  	s16 =	smov.u32 @p2 s12  }
0x17: {  	s14 =	simm.s32 @p2 $0x0;
	p2 =	sgt.s32 s16, $0xFFF  }
0x18: {  	s16 =	smov.u32 @p2 s2;
	p2 =	sne.s32 s11, s7  }
.Ltmp1:
0x19: {  	p1 =	slt.u32 s11, $0x2;
	(pc) =	sbr.rel @!p2 .LBB1_6-.Ltmp1, $4  }
0x1a: {  	s15 =	simm.s32 @!p1 $0x2  }
0x1b: {  	s13 =	smov.u32 s10;
	p0 =	por !p0, !p0;
	_ =	swait.ge @!p1 [sflag:s15], $0x2000  }
0x1c: {  	s12 =	smov.u32 s9;
	[sflag:s15] =	ssyncset.done @!p1 $0x0;
	s9 =	smov.u32 s14  }
0x1d: {  	s11 =	sadd.s32 $0x1, s11;
	[sflag:s15] =	ssyncadd.s32 @!p1 $0xFFFFE000;
	s10 =	smov.u32 s16  }
.LBB1_1:
0x1e: {  	p1 =	sge.u32 s11, s5  }
0x1f: {  	s14 =	sand.u32 @!p1 $0x1FFFFFF, s9  }
0x20: {  	s15 =	smulhi.u32 @!p1 $0x147AE15, s14;
	_ =	sdelay $0x1  }
0x21: {  	s15 =	smul.u32 @!p1 $0xC8, s15  }
0x22: {  	s16 =	sxor.u32 @!p1 $0xFFFFFFFF, s11;
	s17 =	smul.u32 @!p1 $0xC80, s10  }
0x23: {  	s31 =	sadd.s32 $0xFFFFFFFF, s11;
	s16 =	sshll.u32 @!p1 s16, $0xD;
	s14 =	ssub.s32 @!p1 s14, s15  }
0x24: {  	s15 =	sand.u32 @!p1 $0x2000, s16;
	s16 =	sadd.s32 @!p1 s6, s17;
	s14 =	sshll.u32 @!p1 s14, $0x4  }
0x25: {  	s17 =	simm.s32 @!p1 $0x6400;
	s14 =	sadd.s32 @!p1 s14, s16;
	s16 =	simm.s32 @!p1 $0x40  }
0x26: {  	[tilespmem:s15], [sflag:$0x1] =	stream.strided.gather @!p1 [hbm4b:s14+s16], $0x2000, s17, s16, $0x38;
	[tilespmem:$0x8080] =	vst v63  }
0x27: {  	p1 =	sge.u32 s31, s5  }
.Ltmp2:
0x28: {  	_ = 	snop;
	(pc) =	sbr.rel @p1 .LBB1_5-.Ltmp2, $1  }
0x29: {  	_ =	sdelay $0x3  }
0x2a: {  	s14 =	simm.s32 $0x1  }
0x2b: {  	_ =	swait.ge [sflag:s4], $0x2000;
	s14 =	simm.s32 @!p0 $0x0  }
0x2c: {  	[sflag:s4] =	ssyncset.done $0x0;
	s15 =	sshll.u32 s14, $0xD  }
0x2d: {  	[sflag:s4] =	ssyncadd.s32 $0xFFFFE000;
	s18 =	sor.u32 $0x20, s15  }
0x2e: {  	s14 =	smul.u32 $0x8100, s14;
	v3 =	vld [tilespmem:s18+$0x10]  }
0x2f: {  	s30 =	sand.u32 $0x1, s11;
	v2 =	vld [tilespmem:s18+$0xFFFFFFF0]  }
0x30: {  	s15 =	smul.u32 $0x8100, s30;
	s14 =	sshrl.u32 s14, $0x2;
	v0 =	vld [tilespmem:s18+$0x0]  }
0x31: {  	v1 =	vld [tilespmem:s18+$0xFFFFFFE0];
	s16 =	sor.u32 $0x4000, s14  }
0x32: {  	s31 =	sshrl.u32 s15, $0x2;
	s15 =	sadd.s32 $0x0, s16  }
0x33: {  	s17 =	simm.s32 $0x4;
	s18 =	sadd.s32 $0x40, s18;
	s14 =	sor.u32 $0x4000, s31;
	[tilespmem:s15+$0x1830 ss:$0x81] =	vst.msk $0xffff, v3  }
.LBB1_3:
0x34: {  	v3 =	vld [tilespmem:s18+$0x10];
	p1 =	sne.s32 s17, $0x1FC;
	[tilespmem:s15+$0x810 ss:$0x81] =	vst.msk $0xffff, v2;
	s19 =	smov.u32 s17;
	s17 =	sadd.s32 $0x4, s17  }
.Ltmp3:
0x35: {  	v2 =	vld [tilespmem:s18+$0xFFFFFFF0];
	[tilespmem:s15+$0x1020 ss:$0x81] =	vst.msk $0xffff, v0;
	(pc) =	sbr.rel @p1 .LBB1_3-.Ltmp3, $4  }
0x36: {  	v0 =	vld [tilespmem:s18+$0x0];
	[tilespmem:s15+$0x0 ss:$0x81] =	vst.msk $0xffff, v1  }
0x37: {  	s15 =	sshra.s32 s19, $0x2;
	v1 =	vld [tilespmem:s18+$0xFFFFFFE0]  }
0x38: {  	s15 =	sadd.s32 s15, s16  }
0x39: {  	s18 =	sadd.s32 $0x40, s18;
	[tilespmem:s15+$0x1830 ss:$0x81] =	vst.msk $0xffff, v3  }
.Ltmp4:
0x3a: {  	_ = 	snop;
	(pc) =	sbr.rel .LBB1_4-.Ltmp4, $1  }
0x3b: {  	_ =	sdelay $0x3  }
.LBB1_6:
0x3c: {  	_ =	sfence.sel $0x180000  }
0x3d: {  	s2 =	simm.s32 $0x1;
	[bflag:$0x0] =	sbarrier.arrive $0xFFFF  }
0x3e: {  	s31 =	simm.s32 $0x2;
	[sflag:s2] =	ssyncpa.u1 $0x1  }
0x3f: {  	[sflag:s31] =	ssyncpa.u1 $0x1  }
0x40: {  	p0 =	sne.s32 s0, $0x0;
	_ =	strace $0x9000004A  }
0x41: {  	s0 =	sadd.s32 @!p0 $0x100000, s1;
	[bflag:$0x2] =	sbarrier.arrive $0xFFFF  }
0x42: {  	[sflag:s0] =	ssyncadd.tile.s32 @!p0 $0x1;
	_ =	shalt  }
.Lfunc_end1:
_tile_overlayer_lowered:
.L_overlay_start_2:
0x43: {  	(tag) =	ssettag $0x2  }
0x44: {  	s0 =	rddreg [dreg:$0x0];
	s2 =	stileid.u32  }
0x45: {  	s1 =	rddreg [dreg:$0x1];
	p0 =	sne.s32 s2, $0x0  }
0x46: {  	s3 =	rddreg [dreg:$0x2];
	[bflag:$0x3] =	sbarrier.arrive $0xFFFF;
	s2 =	simm.s32 @!p0 $0x1C01  }
0x47: {  	[timem:s3], [sflag:s2] =	dma.local @!p0 [hbm:s0], s1  }
0x48: {  	s0 =	simm.s32 @!p0 $0x1  }
0x49: {  	_ =	swait.ge @!p0 [sflag:s0], s1  }
0x4a: {  	s1 =	ssub.s32 @!p0 $0x0, s1;
	[sflag:s0] =	ssyncset.done @!p0 $0x0  }
0x4b: {  	[sflag:s0] =	ssyncadd.s32 @!p0 s1  }
0x4c: {  	[bflag:$0x3] =	sbarrier.arrive $0xFFFF  }
0x4d: {  	_ =	shalt  }

</sc_bundles>
